<compile_context>
chip_gen: v7x
topology: tpu7x:2x2x1
jax: 0.10.2.dev20260603
libtpu: 0.0.44.dev20260713+nightly
codegen_flags: <defaults>
</compile_context>

<pallas_src>
import functools

import jax
import jax.numpy as jnp
from jax import lax
from jax.experimental import pallas as pl
from jax.experimental.pallas import tpu as pltpu
from jax.experimental.pallas import tpu_sc as plsc

_N = 10000
_D = 128
_E = 320000
_NC, _NS = 2, 16
_CW = 128
_EPS = 20480
_CH = _EPS // _CW
_STG = 16
_NPAD = 10240
_RPS = _NPAD // _NS
_DUMMY = _N


def _accumulate(x_src, src_hbm, dst_hbm, acc_hbm, cnt_hbm, zeros_hbm,
                zeros1d_hbm, acc_sh, src_stg, dst_stg, rows_a, rows_b, cnt_v,
                sem_ga, sem_gb, sem_sa, sem_sb, s):
    r0 = s * _RPS
    pltpu.sync_copy(zeros_hbm, acc_sh.at[pl.ds(r0, _RPS), :])
    pltpu.sync_copy(zeros1d_hbm, cnt_v)
    plsc.subcore_barrier()

    ones16 = jnp.ones((16,), jnp.float32)
    dummy_rows = x_src.at[pl.ds(0, _CW), :]

    def counts(j):
        for l in range(_CW // 16):
            d16 = dst_stg[j, pl.ds(l * 16, 16)]
            plsc.addupdate_scatter(cnt_v, (d16,), ones16)

    def wait_gather(buf, sem):
        pltpu.make_async_copy(dummy_rows, buf, sem).wait()

    def wait_scatter(buf, sem):
        pltpu.make_async_copy(buf, acc_sh.at[pl.ds(0, _CW), :], sem).wait()

    npairs = _STG // 2

    def group(g, carry):
        pltpu.sync_copy(src_hbm.at[s, pl.ds(g * _STG, _STG)], src_stg)
        pltpu.sync_copy(dst_hbm.at[s, pl.ds(g * _STG, _STG)], dst_stg)
        pltpu.async_copy(x_src.at[src_stg.at[0]], rows_a, sem_ga)

        def pair(p, carry2):
            j0 = 2 * p
            @pl.when(p > 0)
            def _():
                wait_scatter(rows_b, sem_sb)

            pltpu.async_copy(x_src.at[src_stg.at[j0 + 1]], rows_b, sem_gb)
            wait_gather(rows_a, sem_ga)
            pltpu.async_copy(rows_a, acc_sh.at[dst_stg.at[j0]], sem_sa, add=True)
            counts(j0)
            wait_gather(rows_b, sem_gb)
            wait_scatter(rows_a, sem_sa)

            @pl.when(p < npairs - 1)
            def _():
                pltpu.async_copy(x_src.at[src_stg.at[j0 + 2]], rows_a, sem_ga)

            pltpu.async_copy(rows_b, acc_sh.at[dst_stg.at[j0 + 1]], sem_sb, add=True)
            counts(j0 + 1)
            return carry2

        carry = lax.fori_loop(0, npairs, pair, carry)
        wait_scatter(rows_b, sem_sb)
        return carry

    lax.fori_loop(0, _CH // _STG, group, 0)
    plsc.subcore_barrier()
    pltpu.sync_copy(acc_sh.at[pl.ds(r0, _RPS), :], acc_hbm.at[pl.ds(r0, _RPS), :])
    pltpu.sync_copy(cnt_v, cnt_hbm.at[s])


def _sc_body(x_user, x_item, src_u2i, dst_u2i, src_i2u, dst_i2u,
             zeros_hbm, zeros1d_hbm, acc_out, cnt_out,
             acc_sh, src_stg, dst_stg, rows_a, rows_b, cnt_v,
             sem_ga, sem_gb, sem_sa, sem_sb):
    c = lax.axis_index("c")
    s = lax.axis_index("s")

    @pl.when(c == 0)
    def _():
        _accumulate(x_user, src_u2i, dst_u2i, acc_out.at[0], cnt_out.at[0],
                    zeros_hbm, zeros1d_hbm, acc_sh, src_stg, dst_stg,
                    rows_a, rows_b, cnt_v, sem_ga, sem_gb, sem_sa, sem_sb, s)

    @pl.when(c == 1)
    def _():
        _accumulate(x_item, src_i2u, dst_i2u, acc_out.at[1], cnt_out.at[1],
                    zeros_hbm, zeros1d_hbm, acc_sh, src_stg, dst_stg,
                    rows_a, rows_b, cnt_v, sem_ga, sem_gb, sem_sa, sem_sb, s)


@functools.cache
def _sc_segment_sum():
    return pl.kernel(
        _sc_body,
        out_type=(
            jax.ShapeDtypeStruct((_NC, _NPAD, _D), jnp.float32),
            jax.ShapeDtypeStruct((_NC, _NS, _NPAD), jnp.float32),
        ),
        mesh=plsc.VectorSubcoreMesh(core_axis_name="c", subcore_axis_name="s",
                                    num_cores=_NC, num_subcores=_NS),
        scratch_types=[
            pltpu.VMEM_SHARED((_NPAD, _D), jnp.float32),
            pltpu.VMEM((_STG, _CW), jnp.int32),
            pltpu.VMEM((_STG, _CW), jnp.int32),
            pltpu.VMEM((_CW, _D), jnp.float32),
            pltpu.VMEM((_CW, _D), jnp.float32),
            pltpu.VMEM((_NPAD,), jnp.float32),
            pltpu.SemaphoreType.DMA,
            pltpu.SemaphoreType.DMA,
            pltpu.SemaphoreType.DMA,
            pltpu.SemaphoreType.DMA,
        ],
        compiler_params=pltpu.CompilerParams(needs_layout_passes=False),
    )


_BLK = 2000


def _dense_body(acc_ref, cnt_ref, x_ref, wl_ref, bl_ref, wr_ref, wo_ref, bo_ref,
                out_ref):
    cnt = jnp.maximum(jnp.sum(cnt_ref[0], axis=1, keepdims=True), 1.0)
    mean = acc_ref[0] / cnt
    dims = (((1,), (1,)), ((), ()))
    h = (lax.dot_general(mean, wl_ref[0], dims, preferred_element_type=jnp.float32)
         + bl_ref[0]
         + lax.dot_general(x_ref[0], wr_ref[0], dims, preferred_element_type=jnp.float32))
    out = lax.dot_general(h, wo_ref[0], dims, preferred_element_type=jnp.float32) + bo_ref[0]
    out_ref[...] = jnp.maximum(out, 0.0)[None]


def _dense_stage(acc, cnt_t, x, wl, bl, wr, wo, bo):
    spec_rows = pl.BlockSpec((1, _BLK, _D), lambda t, i: (t, i, 0))
    spec_cnt = pl.BlockSpec((1, _BLK, _NS), lambda t, i: (t, i, 0))
    spec_w = pl.BlockSpec((1, _D, _D), lambda t, i: (t, 0, 0))
    spec_b = pl.BlockSpec((1, 1, _D), lambda t, i: (t, 0, 0))
    return pl.pallas_call(
        _dense_body,
        grid=(2, _N // _BLK),
        in_specs=[spec_rows, spec_cnt, spec_rows, spec_w, spec_b, spec_w,
                  spec_w, spec_b],
        out_specs=spec_rows,
        out_shape=jax.ShapeDtypeStruct((2, _N, _D), jnp.float32),
    )(acc, cnt_t, x, wl, bl, wr, wo, bo)


def _pad_edges(edge_index):
    src = edge_index[0].reshape(_NS, _E // _NS)
    dst = edge_index[1].reshape(_NS, _E // _NS)
    pad = _EPS - _E // _NS
    src = jnp.concatenate(
        [src, jnp.zeros((_NS, pad), jnp.int32)], axis=1).reshape(_NS, _CH, _CW)
    dst = jnp.concatenate(
        [dst, jnp.full((_NS, pad), _DUMMY, jnp.int32)], axis=1).reshape(_NS, _CH, _CW)
    return src, dst


def kernel(x_user, x_item, edge_index_u2i, edge_index_i2u,
           W_l_u2i, b_l_u2i, W_r_u2i, W_l_i2u, b_l_i2u, W_r_i2u,
           W_user, b_user, W_item, b_item):
    src_u2i, dst_u2i = _pad_edges(edge_index_u2i)
    src_i2u, dst_i2u = _pad_edges(edge_index_i2u)
    zeros = jnp.zeros((_RPS, _D), jnp.float32)
    zeros1d = jnp.zeros((_NPAD,), jnp.float32)

    acc, cnt = _sc_segment_sum()(x_user, x_item, src_u2i, dst_u2i,
                                 src_i2u, dst_i2u, zeros, zeros1d)

    cnt_t = jnp.transpose(cnt, (0, 2, 1))
    x = jnp.stack([x_item, x_user])
    wl = jnp.stack([W_l_u2i, W_l_i2u])
    bl = jnp.stack([b_l_u2i, b_l_i2u])[:, None, :]
    wr = jnp.stack([W_r_u2i, W_r_i2u])
    wo = jnp.stack([W_item, W_user])
    bo = jnp.stack([b_item, b_user])[:, None, :]
    out = _dense_stage(acc, cnt_t, x, wl, bl, wr, wo, bo)
    return (out[1], out[0])

# --- scband reference (transcript-rebuilt; emitter-appended) ---
"""Pipeline reference for scband-hetero-gnn-7318624272988 (READ-ONLY COPY).

The authoritative reference and input builder live on the scoring server;
editing this copy changes nothing except your own understanding.
"""

import jax, jax.numpy as jnp
import numpy as np

N_U, N_I, D, E = 10000, 10000, 128, 320000


def setup_inputs(seed: int = 0) -> dict:
    key = jax.random.key(seed)
    ks = jax.random.split(key, 16)
    inp = {}
    inp['x_user'] = jax.random.normal(ks[0], (N_U, D), dtype=jnp.float32)
    inp['x_item'] = jax.random.normal(ks[1], (N_I, D), dtype=jnp.float32)
    # edge_index[0] = src indices (into src node type), edge_index[1] = dst indices (into dst node type)
    inp['edge_index_u2i'] = jnp.stack([
        jax.random.randint(ks[2], (E,), 0, N_U, dtype=jnp.int64 if jax.config.jax_enable_x64 else jnp.int32).astype(jnp.int32),
        jax.random.randint(ks[3], (E,), 0, N_I, dtype=jnp.int32),
    ])
    inp['edge_index_i2u'] = jnp.stack([
        jax.random.randint(ks[4], (E,), 0, N_I, dtype=jnp.int32),
        jax.random.randint(ks[5], (E,), 0, N_U, dtype=jnp.int32),
    ])
    s = 1.0 / np.sqrt(D)
    # SAGEConv params per edge type: lin_l (neighbor, with bias), lin_r (root, no bias)
    inp['W_l_u2i'] = jax.random.uniform(ks[6], (D, D), jnp.float32, -s, s)
    inp['b_l_u2i'] = jax.random.uniform(ks[7], (D,), jnp.float32, -s, s)
    inp['W_r_u2i'] = jax.random.uniform(ks[8], (D, D), jnp.float32, -s, s)
    inp['W_l_i2u'] = jax.random.uniform(ks[9], (D, D), jnp.float32, -s, s)
    inp['b_l_i2u'] = jax.random.uniform(ks[10], (D,), jnp.float32, -s, s)
    inp['W_r_i2u'] = jax.random.uniform(ks[11], (D, D), jnp.float32, -s, s)
    # per-node-type output Linear
    inp['W_user'] = jax.random.uniform(ks[12], (D, D), jnp.float32, -s, s)
    inp['b_user'] = jax.random.uniform(ks[13], (D,), jnp.float32, -s, s)
    inp['W_item'] = jax.random.uniform(ks[14], (D, D), jnp.float32, -s, s)
    inp['b_item'] = jax.random.uniform(ks[15], (D,), jnp.float32, -s, s)
    return inp


def _sage_conv(x_src, x_dst, edge_index, W_l, b_l, W_r, n_dst):
    src = edge_index[0]
    dst = edge_index[1]
    msg = jnp.take(x_src, src, axis=0)                      # gather over edges
    summed = jax.ops.segment_sum(msg, dst, num_segments=n_dst)  # scatter-add
    cnt = jax.ops.segment_sum(jnp.ones((edge_index.shape[1],), x_src.dtype), dst, num_segments=n_dst)
    mean = summed / jnp.clip(cnt, 1.0, None)[:, None]        # mean aggregation
    return mean @ W_l.T + b_l + x_dst @ W_r.T


def reference(x_user, x_item, edge_index_u2i, edge_index_i2u,
              W_l_u2i, b_l_u2i, W_r_u2i,
              W_l_i2u, b_l_i2u, W_r_i2u,
              W_user, b_user, W_item, b_item):
    # HeteroConv(aggr='sum'): each dst node type sums conv outputs over incoming edge types
    h_item = _sage_conv(x_user, x_item, edge_index_u2i, W_l_u2i, b_l_u2i, W_r_u2i, N_I)
    h_user = _sage_conv(x_item, x_user, edge_index_i2u, W_l_i2u, b_l_i2u, W_r_i2u, N_U)
    out_user = jax.nn.relu(h_user @ W_user.T + b_user)
    out_item = jax.nn.relu(h_item @ W_item.T + b_item)
    return (out_user, out_item)

if __name__ == "__main__":
    import jax
    _d = setup_inputs()
    print(jax.jit(kernel)(*tuple(_d.values())))

</pallas_src>

<mosaic_0001>
#map = affine_map<(d0, d1) -> (0, 0)>
#map1 = affine_map<(d0, d1) -> (0, 0, 0)>
#map2 = affine_map<(d0, d1) -> (0)>
module attributes {stable_mosaic.version = 14 : i64} {
  func.func @_sc_body(%arg0: i32, %arg1: i32, %arg2: memref<10000x128xf32, #tpu.memory_space<hbm>>, %arg3: memref<10000x128xf32, #tpu.memory_space<hbm>>, %arg4: memref<16x160x128xi32, #tpu.memory_space<hbm>>, %arg5: memref<16x160x128xi32, #tpu.memory_space<hbm>>, %arg6: memref<16x160x128xi32, #tpu.memory_space<hbm>>, %arg7: memref<16x160x128xi32, #tpu.memory_space<hbm>>, %arg8: memref<640x128xf32, #tpu.memory_space<hbm>>, %arg9: memref<10240xf32, #tpu.memory_space<hbm>>, %arg10: memref<2x10240x128xf32, #tpu.memory_space<hbm>>, %arg11: memref<2x16x10240xf32, #tpu.memory_space<hbm>>, %arg12: memref<10240x128xf32, #tpu.memory_space<vmem_shared>>, %arg13: memref<16x128xi32, #tpu.memory_space<vmem>>, %arg14: memref<16x128xi32, #tpu.memory_space<vmem>>, %arg15: memref<128x128xf32, #tpu.memory_space<vmem>>, %arg16: memref<128x128xf32, #tpu.memory_space<vmem>>, %arg17: memref<10240xf32, #tpu.memory_space<vmem>>, %arg18: memref<!tpu.dma_semaphore, #tpu.memory_space<semaphore_mem>>, %arg19: memref<!tpu.dma_semaphore, #tpu.memory_space<semaphore_mem>>, %arg20: memref<!tpu.dma_semaphore, #tpu.memory_space<semaphore_mem>>, %arg21: memref<!tpu.dma_semaphore, #tpu.memory_space<semaphore_mem>>) attributes {dimension_semantics = [#tpu.dimension_semantics<core_parallel>, #tpu.dimension_semantics<subcore_parallel>], iteration_bounds = array<i64: 2, 16>, scalar_prefetch = 0 : i64, scratch_operands = 10 : i64, tpu.core_type = #tpu.core_type<sc_vector_subcore>, window_params = [{transform_indices = #map}, {transform_indices = #map}, {transform_indices = #map1}, {transform_indices = #map1}, {transform_indices = #map1}, {transform_indices = #map1}, {transform_indices = #map}, {transform_indices = #map2}, {transform_indices = #map1}, {transform_indices = #map1}]} {
    %eq3A = arith.constant 0 : i32
    %eq3A_0 = arith.cmpi eq, %arg0, %eq3A : i32
    %convert_element_type3A = arith.extui %eq3A_0 : i1 to i32
    %cond3A = arith.constant 0 : i32
    %cond3A_1 = arith.cmpi ne, %convert_element_type3A, %cond3A : i32
    scf.if %cond3A_1 {
      %mul3A = arith.constant 640 : i32
      %mul3A_7 = arith.muli %arg1, %mul3A : i32
      "tpu.region"() ({
        %run_scoped3A_16 = tpu.sem_alloc : memref<!tpu.dma_semaphore, #tpu.memory_space<semaphore_mem>>
        %dma_start3A = arith.constant 0 : i32
        %dma_start3A_17 = tpu.memref_slice %arg12[%mul3A_7, %dma_start3A] : memref<10240x128xf32, #tpu.memory_space<vmem_shared>> -> memref<640x128xf32, #tpu.memory_space<vmem_shared>>
        tpu.enqueue_dma source(%arg8 : memref<640x128xf32, #tpu.memory_space<hbm>>) target(%dma_start3A_17 : memref<640x128xf32, #tpu.memory_space<vmem_shared>>) target_semaphore(%run_scoped3A_16 : memref<!tpu.dma_semaphore, #tpu.memory_space<semaphore_mem>>)
        %dma_wait3A = arith.constant 0 : i32
        %dma_wait3A_18 = tpu.memref_slice %arg12[%mul3A_7, %dma_wait3A] : memref<10240x128xf32, #tpu.memory_space<vmem_shared>> -> memref<640x128xf32, #tpu.memory_space<vmem_shared>>
        tpu.wait_dma2 semaphore(%run_scoped3A_16 : memref<!tpu.dma_semaphore, #tpu.memory_space<semaphore_mem>>) src(%arg8 : memref<640x128xf32, #tpu.memory_space<hbm>>) dst(%dma_wait3A_18 : memref<640x128xf32, #tpu.memory_space<vmem_shared>>)
        tpu.yield
      }) : () -> ()
      "tpu.region"() ({
        %run_scoped3A_16 = tpu.sem_alloc : memref<!tpu.dma_semaphore, #tpu.memory_space<semaphore_mem>>
        tpu.enqueue_dma source(%arg9 : memref<10240xf32, #tpu.memory_space<hbm>>) target(%arg17 : memref<10240xf32, #tpu.memory_space<vmem>>) target_semaphore(%run_scoped3A_16 : memref<!tpu.dma_semaphore, #tpu.memory_space<semaphore_mem>>)
        tpu.wait_dma2 semaphore(%run_scoped3A_16 : memref<!tpu.dma_semaphore, #tpu.memory_space<semaphore_mem>>) src(%arg9 : memref<10240xf32, #tpu.memory_space<hbm>>) dst(%arg17 : memref<10240xf32, #tpu.memory_space<vmem>>)
        tpu.yield
      }) : () -> ()
      %barrier3A = arith.constant 0 : index
      tpu.barrier barrier_id(%barrier3A)
      %broadcast_in_dim3A = arith.constant 1.000000e+00 : f32
      %broadcast_in_dim3A_8 = vector.broadcast %broadcast_in_dim3A : f32 to vector<16xf32>
      %scan3A = arith.constant 0 : i32
      %scan3A_9 = arith.constant 0 : i32
      %scan3A_10 = arith.constant 10 : i32
      %scan3A_11 = arith.addi %scan3A_9, %scan3A_10 : i32
      %scan3A_12 = arith.constant 1 : i32
      scf.for %scan3A_16 = %scan3A_9 to %scan3A_11 step %scan3A_12  : i32 {
        %mul3A_17 = arith.constant 16 : i32
        %mul3A_18 = arith.muli %scan3A_16, %mul3A_17 : i32
        "tpu.region"() ({
          %run_scoped3A_37 = tpu.sem_alloc : memref<!tpu.dma_semaphore, #tpu.memory_space<semaphore_mem>>
          %dma_start3A_38 = arith.constant 0 : i32
          %dma_start3A_39 = tpu.memref_slice %arg4[%arg1, %mul3A_18, %dma_start3A_38] : memref<16x160x128xi32, #tpu.memory_space<hbm>> -> memref<1x16x128xi32, #tpu.memory_space<hbm>>
          %dma_start3A_40 = tpu.memref_squeeze %dma_start3A_39 : memref<1x16x128xi32, #tpu.memory_space<hbm>> -> memref<16x128xi32, #tpu.memory_space<hbm>>
          %dma_start3A_41 = arith.constant 0 : i32
          %dma_start3A_42 = tpu.memref_slice %arg4[%arg1, %mul3A_18, %dma_start3A_41] : memref<16x160x128xi32, #tpu.memory_space<hbm>> -> memref<1x16x128xi32, #tpu.memory_space<hbm>>
          %dma_start3A_43 = tpu.memref_squeeze %dma_start3A_42 : memref<1x16x128xi32, #tpu.memory_space<hbm>> -> memref<16x128xi32, #tpu.memory_space<hbm>>
          tpu.enqueue_dma source(%dma_start3A_43 : memref<16x128xi32, #tpu.memory_space<hbm>>) target(%arg13 : memref<16x128xi32, #tpu.memory_space<vmem>>) target_semaphore(%run_scoped3A_37 : memref<!tpu.dma_semaphore, #tpu.memory_space<semaphore_mem>>)
          %dma_wait3A_44 = arith.constant 0 : i32
          %dma_wait3A_45 = tpu.memref_slice %arg4[%arg1, %mul3A_18, %dma_wait3A_44] : memref<16x160x128xi32, #tpu.memory_space<hbm>> -> memref<1x16x128xi32, #tpu.memory_space<hbm>>
          %dma_wait3A_46 = tpu.memref_squeeze %dma_wait3A_45 : memref<1x16x128xi32, #tpu.memory_space<hbm>> -> memref<16x128xi32, #tpu.memory_space<hbm>>
          %dma_wait3A_47 = arith.constant 0 : i32
          %dma_wait3A_48 = tpu.memref_slice %arg4[%arg1, %mul3A_18, %dma_wait3A_47] : memref<16x160x128xi32, #tpu.memory_space<hbm>> -> memref<1x16x128xi32, #tpu.memory_space<hbm>>
          %dma_wait3A_49 = tpu.memref_squeeze %dma_wait3A_48 : memref<1x16x128xi32, #tpu.memory_space<hbm>> -> memref<16x128xi32, #tpu.memory_space<hbm>>
          tpu.wait_dma2 semaphore(%run_scoped3A_37 : memref<!tpu.dma_semaphore, #tpu.memory_space<semaphore_mem>>) src(%dma_wait3A_49 : memref<16x128xi32, #tpu.memory_space<hbm>>) dst(%arg13 : memref<16x128xi32, #tpu.memory_space<vmem>>)
          tpu.yield
        }) : () -> ()
        %mul3A_19 = arith.constant 16 : i32
        %mul3A_20 = arith.muli %scan3A_16, %mul3A_19 : i32
        "tpu.region"() ({
          %run_scoped3A_37 = tpu.sem_alloc : memref<!tpu.dma_semaphore, #tpu.memory_space<semaphore_mem>>
          %dma_start3A_38 = arith.constant 0 : i32
          %dma_start3A_39 = tpu.memref_slice %arg5[%arg1, %mul3A_20, %dma_start3A_38] : memref<16x160x128xi32, #tpu.memory_space<hbm>> -> memref<1x16x128xi32, #tpu.memory_space<hbm>>
          %dma_start3A_40 = tpu.memref_squeeze %dma_start3A_39 : memref<1x16x128xi32, #tpu.memory_space<hbm>> -> memref<16x128xi32, #tpu.memory_space<hbm>>
          %dma_start3A_41 = arith.constant 0 : i32
          %dma_start3A_42 = tpu.memref_slice %arg5[%arg1, %mul3A_20, %dma_start3A_41] : memref<16x160x128xi32, #tpu.memory_space<hbm>> -> memref<1x16x128xi32, #tpu.memory_space<hbm>>
          %dma_start3A_43 = tpu.memref_squeeze %dma_start3A_42 : memref<1x16x128xi32, #tpu.memory_space<hbm>> -> memref<16x128xi32, #tpu.memory_space<hbm>>
          tpu.enqueue_dma source(%dma_start3A_43 : memref<16x128xi32, #tpu.memory_space<hbm>>) target(%arg14 : memref<16x128xi32, #tpu.memory_space<vmem>>) target_semaphore(%run_scoped3A_37 : memref<!tpu.dma_semaphore, #tpu.memory_space<semaphore_mem>>)
          %dma_wait3A_44 = arith.constant 0 : i32
          %dma_wait3A_45 = tpu.memref_slice %arg5[%arg1, %mul3A_20, %dma_wait3A_44] : memref<16x160x128xi32, #tpu.memory_space<hbm>> -> memref<1x16x128xi32, #tpu.memory_space<hbm>>
          %dma_wait3A_46 = tpu.memref_squeeze %dma_wait3A_45 : memref<1x16x128xi32, #tpu.memory_space<hbm>> -> memref<16x128xi32, #tpu.memory_space<hbm>>
          %dma_wait3A_47 = arith.constant 0 : i32
          %dma_wait3A_48 = tpu.memref_slice %arg5[%arg1, %mul3A_20, %dma_wait3A_47] : memref<16x160x128xi32, #tpu.memory_space<hbm>> -> memref<1x16x128xi32, #tpu.memory_space<hbm>>
          %dma_wait3A_49 = tpu.memref_squeeze %dma_wait3A_48 : memref<1x16x128xi32, #tpu.memory_space<hbm>> -> memref<16x128xi32, #tpu.memory_space<hbm>>
          tpu.wait_dma2 semaphore(%run_scoped3A_37 : memref<!tpu.dma_semaphore, #tpu.memory_space<semaphore_mem>>) src(%dma_wait3A_49 : memref<16x128xi32, #tpu.memory_space<hbm>>) dst(%arg14 : memref<16x128xi32, #tpu.memory_space<vmem>>)
          tpu.yield
        }) : () -> ()
        %dma_start3A = arith.constant 0 : i32
        %dma_start3A_21 = arith.constant 0 : i32
        %dma_start3A_22 = tpu.memref_slice %arg13[%dma_start3A, %dma_start3A_21] : memref<16x128xi32, #tpu.memory_space<vmem>> -> memref<1x128xi32, #tpu.memory_space<vmem>>
        %dma_start3A_23 = tpu.memref_squeeze %dma_start3A_22 : memref<1x128xi32, #tpu.memory_space<vmem>> -> memref<128xi32, #tpu.memory_space<vmem>>
        %dma_start3A_24 = arith.constant 0 : i32
        %dma_start3A_25 = arith.constant 0 : i32
        %dma_start3A_26 = tpu.memref_slice %arg2[%dma_start3A_24, %dma_start3A_25] : memref<10000x128xf32, #tpu.memory_space<hbm>> -> memref<10000x128xf32, #tpu.memory_space<hbm>>
        tpu.enqueue_indirect_dma source(%dma_start3A_26 : memref<10000x128xf32, #tpu.memory_space<hbm>>) target(%arg15 : memref<128x128xf32, #tpu.memory_space<vmem>>) offsets(%dma_start3A_23 : memref<128xi32, #tpu.memory_space<vmem>>) semaphore(%arg18 : memref<!tpu.dma_semaphore, #tpu.memory_space<semaphore_mem>>)
        %scan3A_27 = arith.constant 0 : i32
        %scan3A_28 = arith.constant 8 : i32
        %scan3A_29 = arith.addi %scan3A_27, %scan3A_28 : i32
        %scan3A_30 = arith.constant 1 : i32
        scf.for %scan3A_37 = %scan3A_27 to %scan3A_29 step %scan3A_30  : i32 {
          %mul3A_38 = arith.constant 2 : i32
          %mul3A_39 = arith.muli %mul3A_38, %scan3A_37 : i32
          %gt3A = arith.constant 0 : i32
          %gt3A_40 = arith.cmpi sgt, %scan3A_37, %gt3A : i32
          %convert_element_type3A_41 = arith.extui %gt3A_40 : i1 to i32
          %cond3A_42 = arith.constant 0 : i32
          %cond3A_43 = arith.cmpi ne, %convert_element_type3A_41, %cond3A_42 : i32
          scf.if %cond3A_43 {
            %dma_wait3A_136 = arith.constant 0 : i32
            %dma_wait3A_137 = arith.constant 0 : i32
            %dma_wait3A_138 = tpu.memref_slice %arg12[%dma_wait3A_136, %dma_wait3A_137] : memref<10240x128xf32, #tpu.memory_space<vmem_shared>> -> memref<128x128xf32, #tpu.memory_space<vmem_shared>>
            %dma_wait3A_139 = arith.constant 0 : i32
            %dma_wait3A_140 = arith.constant 0 : i32
            %dma_wait3A_141 = tpu.memref_slice %arg12[%dma_wait3A_139, %dma_wait3A_140] : memref<10240x128xf32, #tpu.memory_space<vmem_shared>> -> memref<128x128xf32, #tpu.memory_space<vmem_shared>>
            tpu.wait_dma2 semaphore(%arg21 : memref<!tpu.dma_semaphore, #tpu.memory_space<semaphore_mem>>) src(%arg16 : memref<128x128xf32, #tpu.memory_space<vmem>>) dst(%dma_wait3A_141 : memref<128x128xf32, #tpu.memory_space<vmem_shared>>)
          } else {
          }
          %add3A = arith.constant 1 : i32
          %add3A_44 = arith.addi %mul3A_39, %add3A : i32
          %dma_start3A_45 = arith.constant 0 : i32
          %dma_start3A_46 = tpu.memref_slice %arg13[%add3A_44, %dma_start3A_45] : memref<16x128xi32, #tpu.memory_space<vmem>> -> memref<1x128xi32, #tpu.memory_space<vmem>>
          %dma_start3A_47 = tpu.memref_squeeze %dma_start3A_46 : memref<1x128xi32, #tpu.memory_space<vmem>> -> memref<128xi32, #tpu.memory_space<vmem>>
          %dma_start3A_48 = arith.constant 0 : i32
          %dma_start3A_49 = arith.constant 0 : i32
          %dma_start3A_50 = tpu.memref_slice %arg2[%dma_start3A_48, %dma_start3A_49] : memref<10000x128xf32, #tpu.memory_space<hbm>> -> memref<10000x128xf32, #tpu.memory_space<hbm>>
          tpu.enqueue_indirect_dma source(%dma_start3A_50 : memref<10000x128xf32, #tpu.memory_space<hbm>>) target(%arg16 : memref<128x128xf32, #tpu.memory_space<vmem>>) offsets(%dma_start3A_47 : memref<128xi32, #tpu.memory_space<vmem>>) semaphore(%arg19 : memref<!tpu.dma_semaphore, #tpu.memory_space<semaphore_mem>>)
          %dma_wait3A_51 = arith.constant 0 : i32
          %dma_wait3A_52 = arith.constant 0 : i32
          %dma_wait3A_53 = tpu.memref_slice %arg2[%dma_wait3A_51, %dma_wait3A_52] : memref<10000x128xf32, #tpu.memory_space<hbm>> -> memref<128x128xf32, #tpu.memory_space<hbm>>
          %dma_wait3A_54 = arith.constant 0 : i32
          %dma_wait3A_55 = arith.constant 0 : i32
          %dma_wait3A_56 = tpu.memref_slice %arg2[%dma_wait3A_54, %dma_wait3A_55] : memref<10000x128xf32, #tpu.memory_space<hbm>> -> memref<128x128xf32, #tpu.memory_space<hbm>>
          tpu.wait_dma2 semaphore(%arg18 : memref<!tpu.dma_semaphore, #tpu.memory_space<semaphore_mem>>) src(%dma_wait3A_56 : memref<128x128xf32, #tpu.memory_space<hbm>>) dst(%arg15 : memref<128x128xf32, #tpu.memory_space<vmem>>)
          %dma_start3A_57 = arith.constant 0 : i32
          %dma_start3A_58 = tpu.memref_slice %arg14[%mul3A_39, %dma_start3A_57] : memref<16x128xi32, #tpu.memory_space<vmem>> -> memref<1x128xi32, #tpu.memory_space<vmem>>
          %dma_start3A_59 = tpu.memref_squeeze %dma_start3A_58 : memref<1x128xi32, #tpu.memory_space<vmem>> -> memref<128xi32, #tpu.memory_space<vmem>>
          %dma_start3A_60 = arith.constant 0 : i32
          %dma_start3A_61 = arith.constant 0 : i32
          %dma_start3A_62 = tpu.memref_slice %arg12[%dma_start3A_60, %dma_start3A_61] : memref<10240x128xf32, #tpu.memory_space<vmem_shared>> -> memref<10240x128xf32, #tpu.memory_space<vmem_shared>>
          tpu.enqueue_indirect_dma source(%arg15 : memref<128x128xf32, #tpu.memory_space<vmem>>) target(%dma_start3A_62 : memref<10240x128xf32, #tpu.memory_space<vmem_shared>>) offsets(%dma_start3A_59 : memref<128xi32, #tpu.memory_space<vmem>>) semaphore(%arg20 : memref<!tpu.dma_semaphore, #tpu.memory_space<semaphore_mem>>) {add = true}
          %get3A = arith.index_cast %mul3A_39 : i32 to index
          %get3A_63 = arith.constant 0 : index
          %get3A_64 = tpu.vector_load %arg14[%get3A, %get3A_63] {strides = array<i32>} : memref<16x128xi32, #tpu.memory_space<vmem>>, vector<16xi32>,
          tpu.vector_store_idx %arg17[%get3A_64], %broadcast_in_dim3A_8 {add = true} : memref<10240xf32, #tpu.memory_space<vmem>>[vector<16xi32>], vector<16xf32>,
          %get3A_65 = arith.index_cast %mul3A_39 : i32 to index
          %get3A_66 = arith.constant 16 : index
          %get3A_67 = tpu.vector_load %arg14[%get3A_65, %get3A_66] {strides = array<i32>} : memref<16x128xi32, #tpu.memory_space<vmem>>, vector<16xi32>,
          tpu.vector_store_idx %arg17[%get3A_67], %broadcast_in_dim3A_8 {add = true} : memref<10240xf32, #tpu.memory_space<vmem>>[vector<16xi32>], vector<16xf32>,
          %get3A_68 = arith.index_cast %mul3A_39 : i32 to index
          %get3A_69 = arith.constant 32 : index
          %get3A_70 = tpu.vector_load %arg14[%get3A_68, %get3A_69] {strides = array<i32>} : memref<16x128xi32, #tpu.memory_space<vmem>>, vector<16xi32>,
          tpu.vector_store_idx %arg17[%get3A_70], %broadcast_in_dim3A_8 {add = true} : memref<10240xf32, #tpu.memory_space<vmem>>[vector<16xi32>], vector<16xf32>,
          %get3A_71 = arith.index_cast %mul3A_39 : i32 to index
          %get3A_72 = arith.constant 48 : index
          %get3A_73 = tpu.vector_load %arg14[%get3A_71, %get3A_72] {strides = array<i32>} : memref<16x128xi32, #tpu.memory_space<vmem>>, vector<16xi32>,
          tpu.vector_store_idx %arg17[%get3A_73], %broadcast_in_dim3A_8 {add = true} : memref<10240xf32, #tpu.memory_space<vmem>>[vector<16xi32>], vector<16xf32>,
          %get3A_74 = arith.index_cast %mul3A_39 : i32 to index
          %get3A_75 = arith.constant 64 : index
          %get3A_76 = tpu.vector_load %arg14[%get3A_74, %get3A_75] {strides = array<i32>} : memref<16x128xi32, #tpu.memory_space<vmem>>, vector<16xi32>,
          tpu.vector_store_idx %arg17[%get3A_76], %broadcast_in_dim3A_8 {add = true} : memref<10240xf32, #tpu.memory_space<vmem>>[vector<16xi32>], vector<16xf32>,
          %get3A_77 = arith.index_cast %mul3A_39 : i32 to index
          %get3A_78 = arith.constant 80 : index
          %get3A_79 = tpu.vector_load %arg14[%get3A_77, %get3A_78] {strides = array<i32>} : memref<16x128xi32, #tpu.memory_space<vmem>>, vector<16xi32>,
          tpu.vector_store_idx %arg17[%get3A_79], %broadcast_in_dim3A_8 {add = true} : memref<10240xf32, #tpu.memory_space<vmem>>[vector<16xi32>], vector<16xf32>,
          %get3A_80 = arith.index_cast %mul3A_39 : i32 to index
          %get3A_81 = arith.constant 96 : index
          %get3A_82 = tpu.vector_load %arg14[%get3A_80, %get3A_81] {strides = array<i32>} : memref<16x128xi32, #tpu.memory_space<vmem>>, vector<16xi32>,
          tpu.vector_store_idx %arg17[%get3A_82], %broadcast_in_dim3A_8 {add = true} : memref<10240xf32, #tpu.memory_space<vmem>>[vector<16xi32>], vector<16xf32>,
          %get3A_83 = arith.index_cast %mul3A_39 : i32 to index
          %get3A_84 = arith.constant 112 : index
          %get3A_85 = tpu.vector_load %arg14[%get3A_83, %get3A_84] {strides = array<i32>} : memref<16x128xi32, #tpu.memory_space<vmem>>, vector<16xi32>,
          tpu.vector_store_idx %arg17[%get3A_85], %broadcast_in_dim3A_8 {add = true} : memref<10240xf32, #tpu.memory_space<vmem>>[vector<16xi32>], vector<16xf32>,
          %dma_wait3A_86 = arith.constant 0 : i32
          %dma_wait3A_87 = arith.constant 0 : i32
          %dma_wait3A_88 = tpu.memref_slice %arg2[%dma_wait3A_86, %dma_wait3A_87] : memref<10000x128xf32, #tpu.memory_space<hbm>> -> memref<128x128xf32, #tpu.memory_space<hbm>>
          %dma_wait3A_89 = arith.constant 0 : i32
          %dma_wait3A_90 = arith.constant 0 : i32
          %dma_wait3A_91 = tpu.memref_slice %arg2[%dma_wait3A_89, %dma_wait3A_90] : memref<10000x128xf32, #tpu.memory_space<hbm>> -> memref<128x128xf32, #tpu.memory_space<hbm>>
          tpu.wait_dma2 semaphore(%arg19 : memref<!tpu.dma_semaphore, #tpu.memory_space<semaphore_mem>>) src(%dma_wait3A_91 : memref<128x128xf32, #tpu.memory_space<hbm>>) dst(%arg16 : memref<128x128xf32, #tpu.memory_space<vmem>>)
          %dma_wait3A_92 = arith.constant 0 : i32
          %dma_wait3A_93 = arith.constant 0 : i32
          %dma_wait3A_94 = tpu.memref_slice %arg12[%dma_wait3A_92, %dma_wait3A_93] : memref<10240x128xf32, #tpu.memory_space<vmem_shared>> -> memref<128x128xf32, #tpu.memory_space<vmem_shared>>
          %dma_wait3A_95 = arith.constant 0 : i32
          %dma_wait3A_96 = arith.constant 0 : i32
          %dma_wait3A_97 = tpu.memref_slice %arg12[%dma_wait3A_95, %dma_wait3A_96] : memref<10240x128xf32, #tpu.memory_space<vmem_shared>> -> memref<128x128xf32, #tpu.memory_space<vmem_shared>>
          tpu.wait_dma2 semaphore(%arg20 : memref<!tpu.dma_semaphore, #tpu.memory_space<semaphore_mem>>) src(%arg15 : memref<128x128xf32, #tpu.memory_space<vmem>>) dst(%dma_wait3A_97 : memref<128x128xf32, #tpu.memory_space<vmem_shared>>)
          %lt3A = arith.constant 7 : i32
          %lt3A_98 = arith.cmpi slt, %scan3A_37, %lt3A : i32
          %convert_element_type3A_99 = arith.extui %lt3A_98 : i1 to i32
          %cond3A_100 = arith.constant 0 : i32
          %cond3A_101 = arith.cmpi ne, %convert_element_type3A_99, %cond3A_100 : i32
          scf.if %cond3A_101 {
            %add3A_136 = arith.constant 2 : i32
            %add3A_137 = arith.addi %mul3A_39, %add3A_136 : i32
            %dma_start3A_138 = arith.constant 0 : i32
            %dma_start3A_139 = tpu.memref_slice %arg13[%add3A_137, %dma_start3A_138] : memref<16x128xi32, #tpu.memory_space<vmem>> -> memref<1x128xi32, #tpu.memory_space<vmem>>
            %dma_start3A_140 = tpu.memref_squeeze %dma_start3A_139 : memref<1x128xi32, #tpu.memory_space<vmem>> -> memref<128xi32, #tpu.memory_space<vmem>>
            %dma_start3A_141 = arith.constant 0 : i32
            %dma_start3A_142 = arith.constant 0 : i32
            %dma_start3A_143 = tpu.memref_slice %arg2[%dma_start3A_141, %dma_start3A_142] : memref<10000x128xf32, #tpu.memory_space<hbm>> -> memref<10000x128xf32, #tpu.memory_space<hbm>>
            tpu.enqueue_indirect_dma source(%dma_start3A_143 : memref<10000x128xf32, #tpu.memory_space<hbm>>) target(%arg15 : memref<128x128xf32, #tpu.memory_space<vmem>>) offsets(%dma_start3A_140 : memref<128xi32, #tpu.memory_space<vmem>>) semaphore(%arg18 : memref<!tpu.dma_semaphore, #tpu.memory_space<semaphore_mem>>)
          } else {
          }
          %add3A_102 = arith.constant 1 : i32
          %add3A_103 = arith.addi %mul3A_39, %add3A_102 : i32
          %dma_start3A_104 = arith.constant 0 : i32
          %dma_start3A_105 = tpu.memref_slice %arg14[%add3A_103, %dma_start3A_104] : memref<16x128xi32, #tpu.memory_space<vmem>> -> memref<1x128xi32, #tpu.memory_space<vmem>>
          %dma_start3A_106 = tpu.memref_squeeze %dma_start3A_105 : memref<1x128xi32, #tpu.memory_space<vmem>> -> memref<128xi32, #tpu.memory_space<vmem>>
          %dma_start3A_107 = arith.constant 0 : i32
          %dma_start3A_108 = arith.constant 0 : i32
          %dma_start3A_109 = tpu.memref_slice %arg12[%dma_start3A_107, %dma_start3A_108] : memref<10240x128xf32, #tpu.memory_space<vmem_shared>> -> memref<10240x128xf32, #tpu.memory_space<vmem_shared>>
          tpu.enqueue_indirect_dma source(%arg16 : memref<128x128xf32, #tpu.memory_space<vmem>>) target(%dma_start3A_109 : memref<10240x128xf32, #tpu.memory_space<vmem_shared>>) offsets(%dma_start3A_106 : memref<128xi32, #tpu.memory_space<vmem>>) semaphore(%arg21 : memref<!tpu.dma_semaphore, #tpu.memory_space<semaphore_mem>>) {add = true}
          %add3A_110 = arith.constant 1 : i32
          %add3A_111 = arith.addi %mul3A_39, %add3A_110 : i32
          %get3A_112 = arith.index_cast %add3A_111 : i32 to index
          %get3A_113 = arith.constant 0 : index
          %get3A_114 = tpu.vector_load %arg14[%get3A_112, %get3A_113] {strides = array<i32>} : memref<16x128xi32, #tpu.memory_space<vmem>>, vector<16xi32>,
          tpu.vector_store_idx %arg17[%get3A_114], %broadcast_in_dim3A_8 {add = true} : memref<10240xf32, #tpu.memory_space<vmem>>[vector<16xi32>], vector<16xf32>,
          %get3A_115 = arith.index_cast %add3A_111 : i32 to index
          %get3A_116 = arith.constant 16 : index
          %get3A_117 = tpu.vector_load %arg14[%get3A_115, %get3A_116] {strides = array<i32>} : memref<16x128xi32, #tpu.memory_space<vmem>>, vector<16xi32>,
          tpu.vector_store_idx %arg17[%get3A_117], %broadcast_in_dim3A_8 {add = true} : memref<10240xf32, #tpu.memory_space<vmem>>[vector<16xi32>], vector<16xf32>,
          %get3A_118 = arith.index_cast %add3A_111 : i32 to index
          %get3A_119 = arith.constant 32 : index
          %get3A_120 = tpu.vector_load %arg14[%get3A_118, %get3A_119] {strides = array<i32>} : memref<16x128xi32, #tpu.memory_space<vmem>>, vector<16xi32>,
          tpu.vector_store_idx %arg17[%get3A_120], %broadcast_in_dim3A_8 {add = true} : memref<10240xf32, #tpu.memory_space<vmem>>[vector<16xi32>], vector<16xf32>,
          %get3A_121 = arith.index_cast %add3A_111 : i32 to index
          %get3A_122 = arith.constant 48 : index
          %get3A_123 = tpu.vector_load %arg14[%get3A_121, %get3A_122] {strides = array<i32>} : memref<16x128xi32, #tpu.memory_space<vmem>>, vector<16xi32>,
          tpu.vector_store_idx %arg17[%get3A_123], %broadcast_in_dim3A_8 {add = true} : memref<10240xf32, #tpu.memory_space<vmem>>[vector<16xi32>], vector<16xf32>,
          %get3A_124 = arith.index_cast %add3A_111 : i32 to index
          %get3A_125 = arith.constant 64 : index
          %get3A_126 = tpu.vector_load %arg14[%get3A_124, %get3A_125] {strides = array<i32>} : memref<16x128xi32, #tpu.memory_space<vmem>>, vector<16xi32>,
          tpu.vector_store_idx %arg17[%get3A_126], %broadcast_in_dim3A_8 {add = true} : memref<10240xf32, #tpu.memory_space<vmem>>[vector<16xi32>], vector<16xf32>,
          %get3A_127 = arith.index_cast %add3A_111 : i32 to index
          %get3A_128 = arith.constant 80 : index
          %get3A_129 = tpu.vector_load %arg14[%get3A_127, %get3A_128] {strides = array<i32>} : memref<16x128xi32, #tpu.memory_space<vmem>>, vector<16xi32>,
          tpu.vector_store_idx %arg17[%get3A_129], %broadcast_in_dim3A_8 {add = true} : memref<10240xf32, #tpu.memory_space<vmem>>[vector<16xi32>], vector<16xf32>,
          %get3A_130 = arith.index_cast %add3A_111 : i32 to index
          %get3A_131 = arith.constant 96 : index
          %get3A_132 = tpu.vector_load %arg14[%get3A_130, %get3A_131] {strides = array<i32>} : memref<16x128xi32, #tpu.memory_space<vmem>>, vector<16xi32>,
          tpu.vector_store_idx %arg17[%get3A_132], %broadcast_in_dim3A_8 {add = true} : memref<10240xf32, #tpu.memory_space<vmem>>[vector<16xi32>], vector<16xf32>,
          %get3A_133 = arith.index_cast %add3A_111 : i32 to index
          %get3A_134 = arith.constant 112 : index
          %get3A_135 = tpu.vector_load %arg14[%get3A_133, %get3A_134] {strides = array<i32>} : memref<16x128xi32, #tpu.memory_space<vmem>>, vector<16xi32>,
          tpu.vector_store_idx %arg17[%get3A_135], %broadcast_in_dim3A_8 {add = true} : memref<10240xf32, #tpu.memory_space<vmem>>[vector<16xi32>], vector<16xf32>,
        }
        %scan3A_31 = arith.constant 8 : i32
        %dma_wait3A = arith.constant 0 : i32
        %dma_wait3A_32 = arith.constant 0 : i32
        %dma_wait3A_33 = tpu.memref_slice %arg12[%dma_wait3A, %dma_wait3A_32] : memref<10240x128xf32, #tpu.memory_space<vmem_shared>> -> memref<128x128xf32, #tpu.memory_space<vmem_shared>>
        %dma_wait3A_34 = arith.constant 0 : i32
        %dma_wait3A_35 = arith.constant 0 : i32
        %dma_wait3A_36 = tpu.memref_slice %arg12[%dma_wait3A_34, %dma_wait3A_35] : memref<10240x128xf32, #tpu.memory_space<vmem_shared>> -> memref<128x128xf32, #tpu.memory_space<vmem_shared>>
        tpu.wait_dma2 semaphore(%arg21 : memref<!tpu.dma_semaphore, #tpu.memory_space<semaphore_mem>>) src(%arg16 : memref<128x128xf32, #tpu.memory_space<vmem>>) dst(%dma_wait3A_36 : memref<128x128xf32, #tpu.memory_space<vmem_shared>>)
      }
      %scan3A_13 = arith.constant 10 : i32
      %barrier3A_14 = arith.constant 0 : index
      tpu.barrier barrier_id(%barrier3A_14)
      %run_scoped3A = arith.constant 0 : i32
      "tpu.region"() ({
        %run_scoped3A_16 = tpu.sem_alloc : memref<!tpu.dma_semaphore, #tpu.memory_space<semaphore_mem>>
        %dma_start3A = arith.constant 0 : i32
        %dma_start3A_17 = arith.constant 0 : i32
        %dma_start3A_18 = tpu.memref_slice %arg10[%run_scoped3A, %dma_start3A, %dma_start3A_17] : memref<2x10240x128xf32, #tpu.memory_space<hbm>> -> memref<1x10240x128xf32, #tpu.memory_space<hbm>>
        %dma_start3A_19 = tpu.memref_squeeze %dma_start3A_18 : memref<1x10240x128xf32, #tpu.memory_space<hbm>> -> memref<10240x128xf32, #tpu.memory_space<hbm>>
        %dma_start3A_20 = arith.constant 0 : i32
        %dma_start3A_21 = tpu.memref_slice %dma_start3A_19[%mul3A_7, %dma_start3A_20] : memref<10240x128xf32, #tpu.memory_space<hbm>> -> memref<640x128xf32, #tpu.memory_space<hbm>>
        %dma_start3A_22 = arith.constant 0 : i32
        %dma_start3A_23 = tpu.memref_slice %arg12[%mul3A_7, %dma_start3A_22] : memref<10240x128xf32, #tpu.memory_space<vmem_shared>> -> memref<640x128xf32, #tpu.memory_space<vmem_shared>>
        tpu.enqueue_dma source(%dma_start3A_23 : memref<640x128xf32, #tpu.memory_space<vmem_shared>>) target(%dma_start3A_21 : memref<640x128xf32, #tpu.memory_space<hbm>>) target_semaphore(%run_scoped3A_16 : memref<!tpu.dma_semaphore, #tpu.memory_space<semaphore_mem>>)
        %dma_wait3A = arith.constant 0 : i32
        %dma_wait3A_24 = arith.constant 0 : i32
        %dma_wait3A_25 = tpu.memref_slice %arg10[%run_scoped3A, %dma_wait3A, %dma_wait3A_24] : memref<2x10240x128xf32, #tpu.memory_space<hbm>> -> memref<1x10240x128xf32, #tpu.memory_space<hbm>>
        %dma_wait3A_26 = tpu.memref_squeeze %dma_wait3A_25 : memref<1x10240x128xf32, #tpu.memory_space<hbm>> -> memref<10240x128xf32, #tpu.memory_space<hbm>>
        %dma_wait3A_27 = arith.constant 0 : i32
        %dma_wait3A_28 = tpu.memref_slice %dma_wait3A_26[%mul3A_7, %dma_wait3A_27] : memref<10240x128xf32, #tpu.memory_space<hbm>> -> memref<640x128xf32, #tpu.memory_space<hbm>>
        %dma_wait3A_29 = arith.constant 0 : i32
        %dma_wait3A_30 = tpu.memref_slice %arg12[%mul3A_7, %dma_wait3A_29] : memref<10240x128xf32, #tpu.memory_space<vmem_shared>> -> memref<640x128xf32, #tpu.memory_space<vmem_shared>>
        tpu.wait_dma2 semaphore(%run_scoped3A_16 : memref<!tpu.dma_semaphore, #tpu.memory_space<semaphore_mem>>) src(%dma_wait3A_30 : memref<640x128xf32, #tpu.memory_space<vmem_shared>>) dst(%dma_wait3A_28 : memref<640x128xf32, #tpu.memory_space<hbm>>)
        tpu.yield
      }) : () -> ()
      %run_scoped3A_15 = arith.constant 0 : i32
      "tpu.region"() ({
        %run_scoped3A_16 = tpu.sem_alloc : memref<!tpu.dma_semaphore, #tpu.memory_space<semaphore_mem>>
        %dma_start3A = arith.constant 0 : i32
        %dma_start3A_17 = arith.constant 0 : i32
        %dma_start3A_18 = tpu.memref_slice %arg11[%run_scoped3A_15, %dma_start3A, %dma_start3A_17] : memref<2x16x10240xf32, #tpu.memory_space<hbm>> -> memref<1x16x10240xf32, #tpu.memory_space<hbm>>
        %dma_start3A_19 = tpu.memref_squeeze %dma_start3A_18 : memref<1x16x10240xf32, #tpu.memory_space<hbm>> -> memref<16x10240xf32, #tpu.memory_space<hbm>>
        %dma_start3A_20 = arith.constant 0 : i32
        %dma_start3A_21 = tpu.memref_slice %dma_start3A_19[%arg1, %dma_start3A_20] : memref<16x10240xf32, #tpu.memory_space<hbm>> -> memref<1x10240xf32, #tpu.memory_space<hbm>>
        %dma_start3A_22 = tpu.memref_squeeze %dma_start3A_21 : memref<1x10240xf32, #tpu.memory_space<hbm>> -> memref<10240xf32, #tpu.memory_space<hbm>>
        %dma_start3A_23 = arith.constant 0 : i32
        %dma_start3A_24 = arith.constant 0 : i32
        %dma_start3A_25 = tpu.memref_slice %arg11[%run_scoped3A_15, %dma_start3A_23, %dma_start3A_24] : memref<2x16x10240xf32, #tpu.memory_space<hbm>> -> memref<1x16x10240xf32, #tpu.memory_space<hbm>>
        %dma_start3A_26 = tpu.memref_squeeze %dma_start3A_25 : memref<1x16x10240xf32, #tpu.memory_space<hbm>> -> memref<16x10240xf32, #tpu.memory_space<hbm>>
        %dma_start3A_27 = arith.constant 0 : i32
        %dma_start3A_28 = tpu.memref_slice %dma_start3A_26[%arg1, %dma_start3A_27] : memref<16x10240xf32, #tpu.memory_space<hbm>> -> memref<1x10240xf32, #tpu.memory_space<hbm>>
        %dma_start3A_29 = tpu.memref_squeeze %dma_start3A_28 : memref<1x10240xf32, #tpu.memory_space<hbm>> -> memref<10240xf32, #tpu.memory_space<hbm>>
        tpu.enqueue_dma source(%arg17 : memref<10240xf32, #tpu.memory_space<vmem>>) target(%dma_start3A_29 : memref<10240xf32, #tpu.memory_space<hbm>>) target_semaphore(%run_scoped3A_16 : memref<!tpu.dma_semaphore, #tpu.memory_space<semaphore_mem>>)
        %dma_wait3A = arith.constant 0 : i32
        %dma_wait3A_30 = arith.constant 0 : i32
        %dma_wait3A_31 = tpu.memref_slice %arg11[%run_scoped3A_15, %dma_wait3A, %dma_wait3A_30] : memref<2x16x10240xf32, #tpu.memory_space<hbm>> -> memref<1x16x10240xf32, #tpu.memory_space<hbm>>
        %dma_wait3A_32 = tpu.memref_squeeze %dma_wait3A_31 : memref<1x16x10240xf32, #tpu.memory_space<hbm>> -> memref<16x10240xf32, #tpu.memory_space<hbm>>
        %dma_wait3A_33 = arith.constant 0 : i32
        %dma_wait3A_34 = tpu.memref_slice %dma_wait3A_32[%arg1, %dma_wait3A_33] : memref<16x10240xf32, #tpu.memory_space<hbm>> -> memref<1x10240xf32, #tpu.memory_space<hbm>>
        %dma_wait3A_35 = tpu.memref_squeeze %dma_wait3A_34 : memref<1x10240xf32, #tpu.memory_space<hbm>> -> memref<10240xf32, #tpu.memory_space<hbm>>
        %dma_wait3A_36 = arith.constant 0 : i32
        %dma_wait3A_37 = arith.constant 0 : i32
        %dma_wait3A_38 = tpu.memref_slice %arg11[%run_scoped3A_15, %dma_wait3A_36, %dma_wait3A_37] : memref<2x16x10240xf32, #tpu.memory_space<hbm>> -> memref<1x16x10240xf32, #tpu.memory_space<hbm>>
        %dma_wait3A_39 = tpu.memref_squeeze %dma_wait3A_38 : memref<1x16x10240xf32, #tpu.memory_space<hbm>> -> memref<16x10240xf32, #tpu.memory_space<hbm>>
        %dma_wait3A_40 = arith.constant 0 : i32
        %dma_wait3A_41 = tpu.memref_slice %dma_wait3A_39[%arg1, %dma_wait3A_40] : memref<16x10240xf32, #tpu.memory_space<hbm>> -> memref<1x10240xf32, #tpu.memory_space<hbm>>
        %dma_wait3A_42 = tpu.memref_squeeze %dma_wait3A_41 : memref<1x10240xf32, #tpu.memory_space<hbm>> -> memref<10240xf32, #tpu.memory_space<hbm>>
        tpu.wait_dma2 semaphore(%run_scoped3A_16 : memref<!tpu.dma_semaphore, #tpu.memory_space<semaphore_mem>>) src(%arg17 : memref<10240xf32, #tpu.memory_space<vmem>>) dst(%dma_wait3A_42 : memref<10240xf32, #tpu.memory_space<hbm>>)
        tpu.yield
      }) : () -> ()
    } else {
    }
    %eq3A_2 = arith.constant 1 : i32
    %eq3A_3 = arith.cmpi eq, %arg0, %eq3A_2 : i32
    %convert_element_type3A_4 = arith.extui %eq3A_3 : i1 to i32
    %cond3A_5 = arith.constant 0 : i32
    %cond3A_6 = arith.cmpi ne, %convert_element_type3A_4, %cond3A_5 : i32
    scf.if %cond3A_6 {
      %mul3A = arith.constant 640 : i32
      %mul3A_7 = arith.muli %arg1, %mul3A : i32
      "tpu.region"() ({
        %run_scoped3A_16 = tpu.sem_alloc : memref<!tpu.dma_semaphore, #tpu.memory_space<semaphore_mem>>
        %dma_start3A = arith.constant 0 : i32
        %dma_start3A_17 = tpu.memref_slice %arg12[%mul3A_7, %dma_start3A] : memref<10240x128xf32, #tpu.memory_space<vmem_shared>> -> memref<640x128xf32, #tpu.memory_space<vmem_shared>>
        tpu.enqueue_dma source(%arg8 : memref<640x128xf32, #tpu.memory_space<hbm>>) target(%dma_start3A_17 : memref<640x128xf32, #tpu.memory_space<vmem_shared>>) target_semaphore(%run_scoped3A_16 : memref<!tpu.dma_semaphore, #tpu.memory_space<semaphore_mem>>)
        %dma_wait3A = arith.constant 0 : i32
        %dma_wait3A_18 = tpu.memref_slice %arg12[%mul3A_7, %dma_wait3A] : memref<10240x128xf32, #tpu.memory_space<vmem_shared>> -> memref<640x128xf32, #tpu.memory_space<vmem_shared>>
        tpu.wait_dma2 semaphore(%run_scoped3A_16 : memref<!tpu.dma_semaphore, #tpu.memory_space<semaphore_mem>>) src(%arg8 : memref<640x128xf32, #tpu.memory_space<hbm>>) dst(%dma_wait3A_18 : memref<640x128xf32, #tpu.memory_space<vmem_shared>>)
        tpu.yield
      }) : () -> ()
      "tpu.region"() ({
        %run_scoped3A_16 = tpu.sem_alloc : memref<!tpu.dma_semaphore, #tpu.memory_space<semaphore_mem>>
        tpu.enqueue_dma source(%arg9 : memref<10240xf32, #tpu.memory_space<hbm>>) target(%arg17 : memref<10240xf32, #tpu.memory_space<vmem>>) target_semaphore(%run_scoped3A_16 : memref<!tpu.dma_semaphore, #tpu.memory_space<semaphore_mem>>)
        tpu.wait_dma2 semaphore(%run_scoped3A_16 : memref<!tpu.dma_semaphore, #tpu.memory_space<semaphore_mem>>) src(%arg9 : memref<10240xf32, #tpu.memory_space<hbm>>) dst(%arg17 : memref<10240xf32, #tpu.memory_space<vmem>>)
        tpu.yield
      }) : () -> ()
      %barrier3A = arith.constant 0 : index
      tpu.barrier barrier_id(%barrier3A)
      %broadcast_in_dim3A = arith.constant 1.000000e+00 : f32
      %broadcast_in_dim3A_8 = vector.broadcast %broadcast_in_dim3A : f32 to vector<16xf32>
      %scan3A = arith.constant 0 : i32
      %scan3A_9 = arith.constant 0 : i32
      %scan3A_10 = arith.constant 10 : i32
      %scan3A_11 = arith.addi %scan3A_9, %scan3A_10 : i32
      %scan3A_12 = arith.constant 1 : i32
      scf.for %scan3A_16 = %scan3A_9 to %scan3A_11 step %scan3A_12  : i32 {
        %mul3A_17 = arith.constant 16 : i32
        %mul3A_18 = arith.muli %scan3A_16, %mul3A_17 : i32
        "tpu.region"() ({
          %run_scoped3A_37 = tpu.sem_alloc : memref<!tpu.dma_semaphore, #tpu.memory_space<semaphore_mem>>
          %dma_start3A_38 = arith.constant 0 : i32
          %dma_start3A_39 = tpu.memref_slice %arg6[%arg1, %mul3A_18, %dma_start3A_38] : memref<16x160x128xi32, #tpu.memory_space<hbm>> -> memref<1x16x128xi32, #tpu.memory_space<hbm>>
          %dma_start3A_40 = tpu.memref_squeeze %dma_start3A_39 : memref<1x16x128xi32, #tpu.memory_space<hbm>> -> memref<16x128xi32, #tpu.memory_space<hbm>>
          %dma_start3A_41 = arith.constant 0 : i32
          %dma_start3A_42 = tpu.memref_slice %arg6[%arg1, %mul3A_18, %dma_start3A_41] : memref<16x160x128xi32, #tpu.memory_space<hbm>> -> memref<1x16x128xi32, #tpu.memory_space<hbm>>
          %dma_start3A_43 = tpu.memref_squeeze %dma_start3A_42 : memref<1x16x128xi32, #tpu.memory_space<hbm>> -> memref<16x128xi32, #tpu.memory_space<hbm>>
          tpu.enqueue_dma source(%dma_start3A_43 : memref<16x128xi32, #tpu.memory_space<hbm>>) target(%arg13 : memref<16x128xi32, #tpu.memory_space<vmem>>) target_semaphore(%run_scoped3A_37 : memref<!tpu.dma_semaphore, #tpu.memory_space<semaphore_mem>>)
          %dma_wait3A_44 = arith.constant 0 : i32
          %dma_wait3A_45 = tpu.memref_slice %arg6[%arg1, %mul3A_18, %dma_wait3A_44] : memref<16x160x128xi32, #tpu.memory_space<hbm>> -> memref<1x16x128xi32, #tpu.memory_space<hbm>>
          %dma_wait3A_46 = tpu.memref_squeeze %dma_wait3A_45 : memref<1x16x128xi32, #tpu.memory_space<hbm>> -> memref<16x128xi32, #tpu.memory_space<hbm>>
          %dma_wait3A_47 = arith.constant 0 : i32
          %dma_wait3A_48 = tpu.memref_slice %arg6[%arg1, %mul3A_18, %dma_wait3A_47] : memref<16x160x128xi32, #tpu.memory_space<hbm>> -> memref<1x16x128xi32, #tpu.memory_space<hbm>>
          %dma_wait3A_49 = tpu.memref_squeeze %dma_wait3A_48 : memref<1x16x128xi32, #tpu.memory_space<hbm>> -> memref<16x128xi32, #tpu.memory_space<hbm>>
          tpu.wait_dma2 semaphore(%run_scoped3A_37 : memref<!tpu.dma_semaphore, #tpu.memory_space<semaphore_mem>>) src(%dma_wait3A_49 : memref<16x128xi32, #tpu.memory_space<hbm>>) dst(%arg13 : memref<16x128xi32, #tpu.memory_space<vmem>>)
          tpu.yield
        }) : () -> ()
        %mul3A_19 = arith.constant 16 : i32
        %mul3A_20 = arith.muli %scan3A_16, %mul3A_19 : i32
        "tpu.region"() ({
          %run_scoped3A_37 = tpu.sem_alloc : memref<!tpu.dma_semaphore, #tpu.memory_space<semaphore_mem>>
          %dma_start3A_38 = arith.constant 0 : i32
          %dma_start3A_39 = tpu.memref_slice %arg7[%arg1, %mul3A_20, %dma_start3A_38] : memref<16x160x128xi32, #tpu.memory_space<hbm>> -> memref<1x16x128xi32, #tpu.memory_space<hbm>>
          %dma_start3A_40 = tpu.memref_squeeze %dma_start3A_39 : memref<1x16x128xi32, #tpu.memory_space<hbm>> -> memref<16x128xi32, #tpu.memory_space<hbm>>
          %dma_start3A_41 = arith.constant 0 : i32
          %dma_start3A_42 = tpu.memref_slice %arg7[%arg1, %mul3A_20, %dma_start3A_41] : memref<16x160x128xi32, #tpu.memory_space<hbm>> -> memref<1x16x128xi32, #tpu.memory_space<hbm>>
          %dma_start3A_43 = tpu.memref_squeeze %dma_start3A_42 : memref<1x16x128xi32, #tpu.memory_space<hbm>> -> memref<16x128xi32, #tpu.memory_space<hbm>>
          tpu.enqueue_dma source(%dma_start3A_43 : memref<16x128xi32, #tpu.memory_space<hbm>>) target(%arg14 : memref<16x128xi32, #tpu.memory_space<vmem>>) target_semaphore(%run_scoped3A_37 : memref<!tpu.dma_semaphore, #tpu.memory_space<semaphore_mem>>)
          %dma_wait3A_44 = arith.constant 0 : i32
          %dma_wait3A_45 = tpu.memref_slice %arg7[%arg1, %mul3A_20, %dma_wait3A_44] : memref<16x160x128xi32, #tpu.memory_space<hbm>> -> memref<1x16x128xi32, #tpu.memory_space<hbm>>
          %dma_wait3A_46 = tpu.memref_squeeze %dma_wait3A_45 : memref<1x16x128xi32, #tpu.memory_space<hbm>> -> memref<16x128xi32, #tpu.memory_space<hbm>>
          %dma_wait3A_47 = arith.constant 0 : i32
          %dma_wait3A_48 = tpu.memref_slice %arg7[%arg1, %mul3A_20, %dma_wait3A_47] : memref<16x160x128xi32, #tpu.memory_space<hbm>> -> memref<1x16x128xi32, #tpu.memory_space<hbm>>
          %dma_wait3A_49 = tpu.memref_squeeze %dma_wait3A_48 : memref<1x16x128xi32, #tpu.memory_space<hbm>> -> memref<16x128xi32, #tpu.memory_space<hbm>>
          tpu.wait_dma2 semaphore(%run_scoped3A_37 : memref<!tpu.dma_semaphore, #tpu.memory_space<semaphore_mem>>) src(%dma_wait3A_49 : memref<16x128xi32, #tpu.memory_space<hbm>>) dst(%arg14 : memref<16x128xi32, #tpu.memory_space<vmem>>)
          tpu.yield
        }) : () -> ()
        %dma_start3A = arith.constant 0 : i32
        %dma_start3A_21 = arith.constant 0 : i32
        %dma_start3A_22 = tpu.memref_slice %arg13[%dma_start3A, %dma_start3A_21] : memref<16x128xi32, #tpu.memory_space<vmem>> -> memref<1x128xi32, #tpu.memory_space<vmem>>
        %dma_start3A_23 = tpu.memref_squeeze %dma_start3A_22 : memref<1x128xi32, #tpu.memory_space<vmem>> -> memref<128xi32, #tpu.memory_space<vmem>>
        %dma_start3A_24 = arith.constant 0 : i32
        %dma_start3A_25 = arith.constant 0 : i32
        %dma_start3A_26 = tpu.memref_slice %arg3[%dma_start3A_24, %dma_start3A_25] : memref<10000x128xf32, #tpu.memory_space<hbm>> -> memref<10000x128xf32, #tpu.memory_space<hbm>>
        tpu.enqueue_indirect_dma source(%dma_start3A_26 : memref<10000x128xf32, #tpu.memory_space<hbm>>) target(%arg15 : memref<128x128xf32, #tpu.memory_space<vmem>>) offsets(%dma_start3A_23 : memref<128xi32, #tpu.memory_space<vmem>>) semaphore(%arg18 : memref<!tpu.dma_semaphore, #tpu.memory_space<semaphore_mem>>)
        %scan3A_27 = arith.constant 0 : i32
        %scan3A_28 = arith.constant 8 : i32
        %scan3A_29 = arith.addi %scan3A_27, %scan3A_28 : i32
        %scan3A_30 = arith.constant 1 : i32
        scf.for %scan3A_37 = %scan3A_27 to %scan3A_29 step %scan3A_30  : i32 {
          %mul3A_38 = arith.constant 2 : i32
          %mul3A_39 = arith.muli %mul3A_38, %scan3A_37 : i32
          %gt3A = arith.constant 0 : i32
          %gt3A_40 = arith.cmpi sgt, %scan3A_37, %gt3A : i32
          %convert_element_type3A_41 = arith.extui %gt3A_40 : i1 to i32
          %cond3A_42 = arith.constant 0 : i32
          %cond3A_43 = arith.cmpi ne, %convert_element_type3A_41, %cond3A_42 : i32
          scf.if %cond3A_43 {
            %dma_wait3A_136 = arith.constant 0 : i32
            %dma_wait3A_137 = arith.constant 0 : i32
            %dma_wait3A_138 = tpu.memref_slice %arg12[%dma_wait3A_136, %dma_wait3A_137] : memref<10240x128xf32, #tpu.memory_space<vmem_shared>> -> memref<128x128xf32, #tpu.memory_space<vmem_shared>>
            %dma_wait3A_139 = arith.constant 0 : i32
            %dma_wait3A_140 = arith.constant 0 : i32
            %dma_wait3A_141 = tpu.memref_slice %arg12[%dma_wait3A_139, %dma_wait3A_140] : memref<10240x128xf32, #tpu.memory_space<vmem_shared>> -> memref<128x128xf32, #tpu.memory_space<vmem_shared>>
            tpu.wait_dma2 semaphore(%arg21 : memref<!tpu.dma_semaphore, #tpu.memory_space<semaphore_mem>>) src(%arg16 : memref<128x128xf32, #tpu.memory_space<vmem>>) dst(%dma_wait3A_141 : memref<128x128xf32, #tpu.memory_space<vmem_shared>>)
          } else {
          }
          %add3A = arith.constant 1 : i32
          %add3A_44 = arith.addi %mul3A_39, %add3A : i32
          %dma_start3A_45 = arith.constant 0 : i32
          %dma_start3A_46 = tpu.memref_slice %arg13[%add3A_44, %dma_start3A_45] : memref<16x128xi32, #tpu.memory_space<vmem>> -> memref<1x128xi32, #tpu.memory_space<vmem>>
          %dma_start3A_47 = tpu.memref_squeeze %dma_start3A_46 : memref<1x128xi32, #tpu.memory_space<vmem>> -> memref<128xi32, #tpu.memory_space<vmem>>
          %dma_start3A_48 = arith.constant 0 : i32
          %dma_start3A_49 = arith.constant 0 : i32
          %dma_start3A_50 = tpu.memref_slice %arg3[%dma_start3A_48, %dma_start3A_49] : memref<10000x128xf32, #tpu.memory_space<hbm>> -> memref<10000x128xf32, #tpu.memory_space<hbm>>
          tpu.enqueue_indirect_dma source(%dma_start3A_50 : memref<10000x128xf32, #tpu.memory_space<hbm>>) target(%arg16 : memref<128x128xf32, #tpu.memory_space<vmem>>) offsets(%dma_start3A_47 : memref<128xi32, #tpu.memory_space<vmem>>) semaphore(%arg19 : memref<!tpu.dma_semaphore, #tpu.memory_space<semaphore_mem>>)
          %dma_wait3A_51 = arith.constant 0 : i32
          %dma_wait3A_52 = arith.constant 0 : i32
          %dma_wait3A_53 = tpu.memref_slice %arg3[%dma_wait3A_51, %dma_wait3A_52] : memref<10000x128xf32, #tpu.memory_space<hbm>> -> memref<128x128xf32, #tpu.memory_space<hbm>>
          %dma_wait3A_54 = arith.constant 0 : i32
          %dma_wait3A_55 = arith.constant 0 : i32
          %dma_wait3A_56 = tpu.memref_slice %arg3[%dma_wait3A_54, %dma_wait3A_55] : memref<10000x128xf32, #tpu.memory_space<hbm>> -> memref<128x128xf32, #tpu.memory_space<hbm>>
          tpu.wait_dma2 semaphore(%arg18 : memref<!tpu.dma_semaphore, #tpu.memory_space<semaphore_mem>>) src(%dma_wait3A_56 : memref<128x128xf32, #tpu.memory_space<hbm>>) dst(%arg15 : memref<128x128xf32, #tpu.memory_space<vmem>>)
          %dma_start3A_57 = arith.constant 0 : i32
          %dma_start3A_58 = tpu.memref_slice %arg14[%mul3A_39, %dma_start3A_57] : memref<16x128xi32, #tpu.memory_space<vmem>> -> memref<1x128xi32, #tpu.memory_space<vmem>>
          %dma_start3A_59 = tpu.memref_squeeze %dma_start3A_58 : memref<1x128xi32, #tpu.memory_space<vmem>> -> memref<128xi32, #tpu.memory_space<vmem>>
          %dma_start3A_60 = arith.constant 0 : i32
          %dma_start3A_61 = arith.constant 0 : i32
          %dma_start3A_62 = tpu.memref_slice %arg12[%dma_start3A_60, %dma_start3A_61] : memref<10240x128xf32, #tpu.memory_space<vmem_shared>> -> memref<10240x128xf32, #tpu.memory_space<vmem_shared>>
          tpu.enqueue_indirect_dma source(%arg15 : memref<128x128xf32, #tpu.memory_space<vmem>>) target(%dma_start3A_62 : memref<10240x128xf32, #tpu.memory_space<vmem_shared>>) offsets(%dma_start3A_59 : memref<128xi32, #tpu.memory_space<vmem>>) semaphore(%arg20 : memref<!tpu.dma_semaphore, #tpu.memory_space<semaphore_mem>>) {add = true}
          %get3A = arith.index_cast %mul3A_39 : i32 to index
          %get3A_63 = arith.constant 0 : index
          %get3A_64 = tpu.vector_load %arg14[%get3A, %get3A_63] {strides = array<i32>} : memref<16x128xi32, #tpu.memory_space<vmem>>, vector<16xi32>,
          tpu.vector_store_idx %arg17[%get3A_64], %broadcast_in_dim3A_8 {add = true} : memref<10240xf32, #tpu.memory_space<vmem>>[vector<16xi32>], vector<16xf32>,
          %get3A_65 = arith.index_cast %mul3A_39 : i32 to index
          %get3A_66 = arith.constant 16 : index
          %get3A_67 = tpu.vector_load %arg14[%get3A_65, %get3A_66] {strides = array<i32>} : memref<16x128xi32, #tpu.memory_space<vmem>>, vector<16xi32>,
          tpu.vector_store_idx %arg17[%get3A_67], %broadcast_in_dim3A_8 {add = true} : memref<10240xf32, #tpu.memory_space<vmem>>[vector<16xi32>], vector<16xf32>,
          %get3A_68 = arith.index_cast %mul3A_39 : i32 to index
          %get3A_69 = arith.constant 32 : index
          %get3A_70 = tpu.vector_load %arg14[%get3A_68, %get3A_69] {strides = array<i32>} : memref<16x128xi32, #tpu.memory_space<vmem>>, vector<16xi32>,
          tpu.vector_store_idx %arg17[%get3A_70], %broadcast_in_dim3A_8 {add = true} : memref<10240xf32, #tpu.memory_space<vmem>>[vector<16xi32>], vector<16xf32>,
          %get3A_71 = arith.index_cast %mul3A_39 : i32 to index
          %get3A_72 = arith.constant 48 : index
          %get3A_73 = tpu.vector_load %arg14[%get3A_71, %get3A_72] {strides = array<i32>} : memref<16x128xi32, #tpu.memory_space<vmem>>, vector<16xi32>,
          tpu.vector_store_idx %arg17[%get3A_73], %broadcast_in_dim3A_8 {add = true} : memref<10240xf32, #tpu.memory_space<vmem>>[vector<16xi32>], vector<16xf32>,
          %get3A_74 = arith.index_cast %mul3A_39 : i32 to index
          %get3A_75 = arith.constant 64 : index
          %get3A_76 = tpu.vector_load %arg14[%get3A_74, %get3A_75] {strides = array<i32>} : memref<16x128xi32, #tpu.memory_space<vmem>>, vector<16xi32>,
          tpu.vector_store_idx %arg17[%get3A_76], %broadcast_in_dim3A_8 {add = true} : memref<10240xf32, #tpu.memory_space<vmem>>[vector<16xi32>], vector<16xf32>,
          %get3A_77 = arith.index_cast %mul3A_39 : i32 to index
          %get3A_78 = arith.constant 80 : index
          %get3A_79 = tpu.vector_load %arg14[%get3A_77, %get3A_78] {strides = array<i32>} : memref<16x128xi32, #tpu.memory_space<vmem>>, vector<16xi32>,
          tpu.vector_store_idx %arg17[%get3A_79], %broadcast_in_dim3A_8 {add = true} : memref<10240xf32, #tpu.memory_space<vmem>>[vector<16xi32>], vector<16xf32>,
          %get3A_80 = arith.index_cast %mul3A_39 : i32 to index
          %get3A_81 = arith.constant 96 : index
          %get3A_82 = tpu.vector_load %arg14[%get3A_80, %get3A_81] {strides = array<i32>} : memref<16x128xi32, #tpu.memory_space<vmem>>, vector<16xi32>,
          tpu.vector_store_idx %arg17[%get3A_82], %broadcast_in_dim3A_8 {add = true} : memref<10240xf32, #tpu.memory_space<vmem>>[vector<16xi32>], vector<16xf32>,
          %get3A_83 = arith.index_cast %mul3A_39 : i32 to index
          %get3A_84 = arith.constant 112 : index
          %get3A_85 = tpu.vector_load %arg14[%get3A_83, %get3A_84] {strides = array<i32>} : memref<16x128xi32, #tpu.memory_space<vmem>>, vector<16xi32>,
          tpu.vector_store_idx %arg17[%get3A_85], %broadcast_in_dim3A_8 {add = true} : memref<10240xf32, #tpu.memory_space<vmem>>[vector<16xi32>], vector<16xf32>,
          %dma_wait3A_86 = arith.constant 0 : i32
          %dma_wait3A_87 = arith.constant 0 : i32
          %dma_wait3A_88 = tpu.memref_slice %arg3[%dma_wait3A_86, %dma_wait3A_87] : memref<10000x128xf32, #tpu.memory_space<hbm>> -> memref<128x128xf32, #tpu.memory_space<hbm>>
          %dma_wait3A_89 = arith.constant 0 : i32
          %dma_wait3A_90 = arith.constant 0 : i32
          %dma_wait3A_91 = tpu.memref_slice %arg3[%dma_wait3A_89, %dma_wait3A_90] : memref<10000x128xf32, #tpu.memory_space<hbm>> -> memref<128x128xf32, #tpu.memory_space<hbm>>
          tpu.wait_dma2 semaphore(%arg19 : memref<!tpu.dma_semaphore, #tpu.memory_space<semaphore_mem>>) src(%dma_wait3A_91 : memref<128x128xf32, #tpu.memory_space<hbm>>) dst(%arg16 : memref<128x128xf32, #tpu.memory_space<vmem>>)
          %dma_wait3A_92 = arith.constant 0 : i32
          %dma_wait3A_93 = arith.constant 0 : i32
          %dma_wait3A_94 = tpu.memref_slice %arg12[%dma_wait3A_92, %dma_wait3A_93] : memref<10240x128xf32, #tpu.memory_space<vmem_shared>> -> memref<128x128xf32, #tpu.memory_space<vmem_shared>>
          %dma_wait3A_95 = arith.constant 0 : i32
          %dma_wait3A_96 = arith.constant 0 : i32
          %dma_wait3A_97 = tpu.memref_slice %arg12[%dma_wait3A_95, %dma_wait3A_96] : memref<10240x128xf32, #tpu.memory_space<vmem_shared>> -> memref<128x128xf32, #tpu.memory_space<vmem_shared>>
          tpu.wait_dma2 semaphore(%arg20 : memref<!tpu.dma_semaphore, #tpu.memory_space<semaphore_mem>>) src(%arg15 : memref<128x128xf32, #tpu.memory_space<vmem>>) dst(%dma_wait3A_97 : memref<128x128xf32, #tpu.memory_space<vmem_shared>>)
          %lt3A = arith.constant 7 : i32
          %lt3A_98 = arith.cmpi slt, %scan3A_37, %lt3A : i32
          %convert_element_type3A_99 = arith.extui %lt3A_98 : i1 to i32
          %cond3A_100 = arith.constant 0 : i32
          %cond3A_101 = arith.cmpi ne, %convert_element_type3A_99, %cond3A_100 : i32
          scf.if %cond3A_101 {
            %add3A_136 = arith.constant 2 : i32
            %add3A_137 = arith.addi %mul3A_39, %add3A_136 : i32
            %dma_start3A_138 = arith.constant 0 : i32
            %dma_start3A_139 = tpu.memref_slice %arg13[%add3A_137, %dma_start3A_138] : memref<16x128xi32, #tpu.memory_space<vmem>> -> memref<1x128xi32, #tpu.memory_space<vmem>>
            %dma_start3A_140 = tpu.memref_squeeze %dma_start3A_139 : memref<1x128xi32, #tpu.memory_space<vmem>> -> memref<128xi32, #tpu.memory_space<vmem>>
            %dma_start3A_141 = arith.constant 0 : i32
            %dma_start3A_142 = arith.constant 0 : i32
            %dma_start3A_143 = tpu.memref_slice %arg3[%dma_start3A_141, %dma_start3A_142] : memref<10000x128xf32, #tpu.memory_space<hbm>> -> memref<10000x128xf32, #tpu.memory_space<hbm>>
            tpu.enqueue_indirect_dma source(%dma_start3A_143 : memref<10000x128xf32, #tpu.memory_space<hbm>>) target(%arg15 : memref<128x128xf32, #tpu.memory_space<vmem>>) offsets(%dma_start3A_140 : memref<128xi32, #tpu.memory_space<vmem>>) semaphore(%arg18 : memref<!tpu.dma_semaphore, #tpu.memory_space<semaphore_mem>>)
          } else {
          }
          %add3A_102 = arith.constant 1 : i32
          %add3A_103 = arith.addi %mul3A_39, %add3A_102 : i32
          %dma_start3A_104 = arith.constant 0 : i32
          %dma_start3A_105 = tpu.memref_slice %arg14[%add3A_103, %dma_start3A_104] : memref<16x128xi32, #tpu.memory_space<vmem>> -> memref<1x128xi32, #tpu.memory_space<vmem>>
          %dma_start3A_106 = tpu.memref_squeeze %dma_start3A_105 : memref<1x128xi32, #tpu.memory_space<vmem>> -> memref<128xi32, #tpu.memory_space<vmem>>
          %dma_start3A_107 = arith.constant 0 : i32
          %dma_start3A_108 = arith.constant 0 : i32
          %dma_start3A_109 = tpu.memref_slice %arg12[%dma_start3A_107, %dma_start3A_108] : memref<10240x128xf32, #tpu.memory_space<vmem_shared>> -> memref<10240x128xf32, #tpu.memory_space<vmem_shared>>
          tpu.enqueue_indirect_dma source(%arg16 : memref<128x128xf32, #tpu.memory_space<vmem>>) target(%dma_start3A_109 : memref<10240x128xf32, #tpu.memory_space<vmem_shared>>) offsets(%dma_start3A_106 : memref<128xi32, #tpu.memory_space<vmem>>) semaphore(%arg21 : memref<!tpu.dma_semaphore, #tpu.memory_space<semaphore_mem>>) {add = true}
          %add3A_110 = arith.constant 1 : i32
          %add3A_111 = arith.addi %mul3A_39, %add3A_110 : i32
          %get3A_112 = arith.index_cast %add3A_111 : i32 to index
          %get3A_113 = arith.constant 0 : index
          %get3A_114 = tpu.vector_load %arg14[%get3A_112, %get3A_113] {strides = array<i32>} : memref<16x128xi32, #tpu.memory_space<vmem>>, vector<16xi32>,
          tpu.vector_store_idx %arg17[%get3A_114], %broadcast_in_dim3A_8 {add = true} : memref<10240xf32, #tpu.memory_space<vmem>>[vector<16xi32>], vector<16xf32>,
          %get3A_115 = arith.index_cast %add3A_111 : i32 to index
          %get3A_116 = arith.constant 16 : index
          %get3A_117 = tpu.vector_load %arg14[%get3A_115, %get3A_116] {strides = array<i32>} : memref<16x128xi32, #tpu.memory_space<vmem>>, vector<16xi32>,
          tpu.vector_store_idx %arg17[%get3A_117], %broadcast_in_dim3A_8 {add = true} : memref<10240xf32, #tpu.memory_space<vmem>>[vector<16xi32>], vector<16xf32>,
          %get3A_118 = arith.index_cast %add3A_111 : i32 to index
          %get3A_119 = arith.constant 32 : index
          %get3A_120 = tpu.vector_load %arg14[%get3A_118, %get3A_119] {strides = array<i32>} : memref<16x128xi32, #tpu.memory_space<vmem>>, vector<16xi32>,
          tpu.vector_store_idx %arg17[%get3A_120], %broadcast_in_dim3A_8 {add = true} : memref<10240xf32, #tpu.memory_space<vmem>>[vector<16xi32>], vector<16xf32>,
          %get3A_121 = arith.index_cast %add3A_111 : i32 to index
          %get3A_122 = arith.constant 48 : index
          %get3A_123 = tpu.vector_load %arg14[%get3A_121, %get3A_122] {strides = array<i32>} : memref<16x128xi32, #tpu.memory_space<vmem>>, vector<16xi32>,
          tpu.vector_store_idx %arg17[%get3A_123], %broadcast_in_dim3A_8 {add = true} : memref<10240xf32, #tpu.memory_space<vmem>>[vector<16xi32>], vector<16xf32>,
          %get3A_124 = arith.index_cast %add3A_111 : i32 to index
          %get3A_125 = arith.constant 64 : index
          %get3A_126 = tpu.vector_load %arg14[%get3A_124, %get3A_125] {strides = array<i32>} : memref<16x128xi32, #tpu.memory_space<vmem>>, vector<16xi32>,
          tpu.vector_store_idx %arg17[%get3A_126], %broadcast_in_dim3A_8 {add = true} : memref<10240xf32, #tpu.memory_space<vmem>>[vector<16xi32>], vector<16xf32>,
          %get3A_127 = arith.index_cast %add3A_111 : i32 to index
          %get3A_128 = arith.constant 80 : index
          %get3A_129 = tpu.vector_load %arg14[%get3A_127, %get3A_128] {strides = array<i32>} : memref<16x128xi32, #tpu.memory_space<vmem>>, vector<16xi32>,
          tpu.vector_store_idx %arg17[%get3A_129], %broadcast_in_dim3A_8 {add = true} : memref<10240xf32, #tpu.memory_space<vmem>>[vector<16xi32>], vector<16xf32>,
          %get3A_130 = arith.index_cast %add3A_111 : i32 to index
          %get3A_131 = arith.constant 96 : index
          %get3A_132 = tpu.vector_load %arg14[%get3A_130, %get3A_131] {strides = array<i32>} : memref<16x128xi32, #tpu.memory_space<vmem>>, vector<16xi32>,
          tpu.vector_store_idx %arg17[%get3A_132], %broadcast_in_dim3A_8 {add = true} : memref<10240xf32, #tpu.memory_space<vmem>>[vector<16xi32>], vector<16xf32>,
          %get3A_133 = arith.index_cast %add3A_111 : i32 to index
          %get3A_134 = arith.constant 112 : index
          %get3A_135 = tpu.vector_load %arg14[%get3A_133, %get3A_134] {strides = array<i32>} : memref<16x128xi32, #tpu.memory_space<vmem>>, vector<16xi32>,
          tpu.vector_store_idx %arg17[%get3A_135], %broadcast_in_dim3A_8 {add = true} : memref<10240xf32, #tpu.memory_space<vmem>>[vector<16xi32>], vector<16xf32>,
        }
        %scan3A_31 = arith.constant 8 : i32
        %dma_wait3A = arith.constant 0 : i32
        %dma_wait3A_32 = arith.constant 0 : i32
        %dma_wait3A_33 = tpu.memref_slice %arg12[%dma_wait3A, %dma_wait3A_32] : memref<10240x128xf32, #tpu.memory_space<vmem_shared>> -> memref<128x128xf32, #tpu.memory_space<vmem_shared>>
        %dma_wait3A_34 = arith.constant 0 : i32
        %dma_wait3A_35 = arith.constant 0 : i32
        %dma_wait3A_36 = tpu.memref_slice %arg12[%dma_wait3A_34, %dma_wait3A_35] : memref<10240x128xf32, #tpu.memory_space<vmem_shared>> -> memref<128x128xf32, #tpu.memory_space<vmem_shared>>
        tpu.wait_dma2 semaphore(%arg21 : memref<!tpu.dma_semaphore, #tpu.memory_space<semaphore_mem>>) src(%arg16 : memref<128x128xf32, #tpu.memory_space<vmem>>) dst(%dma_wait3A_36 : memref<128x128xf32, #tpu.memory_space<vmem_shared>>)
      }
      %scan3A_13 = arith.constant 10 : i32
      %barrier3A_14 = arith.constant 0 : index
      tpu.barrier barrier_id(%barrier3A_14)
      %run_scoped3A = arith.constant 1 : i32
      "tpu.region"() ({
        %run_scoped3A_16 = tpu.sem_alloc : memref<!tpu.dma_semaphore, #tpu.memory_space<semaphore_mem>>
        %dma_start3A = arith.constant 0 : i32
        %dma_start3A_17 = arith.constant 0 : i32
        %dma_start3A_18 = tpu.memref_slice %arg10[%run_scoped3A, %dma_start3A, %dma_start3A_17] : memref<2x10240x128xf32, #tpu.memory_space<hbm>> -> memref<1x10240x128xf32, #tpu.memory_space<hbm>>
        %dma_start3A_19 = tpu.memref_squeeze %dma_start3A_18 : memref<1x10240x128xf32, #tpu.memory_space<hbm>> -> memref<10240x128xf32, #tpu.memory_space<hbm>>
        %dma_start3A_20 = arith.constant 0 : i32
        %dma_start3A_21 = tpu.memref_slice %dma_start3A_19[%mul3A_7, %dma_start3A_20] : memref<10240x128xf32, #tpu.memory_space<hbm>> -> memref<640x128xf32, #tpu.memory_space<hbm>>
        %dma_start3A_22 = arith.constant 0 : i32
        %dma_start3A_23 = tpu.memref_slice %arg12[%mul3A_7, %dma_start3A_22] : memref<10240x128xf32, #tpu.memory_space<vmem_shared>> -> memref<640x128xf32, #tpu.memory_space<vmem_shared>>
        tpu.enqueue_dma source(%dma_start3A_23 : memref<640x128xf32, #tpu.memory_space<vmem_shared>>) target(%dma_start3A_21 : memref<640x128xf32, #tpu.memory_space<hbm>>) target_semaphore(%run_scoped3A_16 : memref<!tpu.dma_semaphore, #tpu.memory_space<semaphore_mem>>)
        %dma_wait3A = arith.constant 0 : i32
        %dma_wait3A_24 = arith.constant 0 : i32
        %dma_wait3A_25 = tpu.memref_slice %arg10[%run_scoped3A, %dma_wait3A, %dma_wait3A_24] : memref<2x10240x128xf32, #tpu.memory_space<hbm>> -> memref<1x10240x128xf32, #tpu.memory_space<hbm>>
        %dma_wait3A_26 = tpu.memref_squeeze %dma_wait3A_25 : memref<1x10240x128xf32, #tpu.memory_space<hbm>> -> memref<10240x128xf32, #tpu.memory_space<hbm>>
        %dma_wait3A_27 = arith.constant 0 : i32
        %dma_wait3A_28 = tpu.memref_slice %dma_wait3A_26[%mul3A_7, %dma_wait3A_27] : memref<10240x128xf32, #tpu.memory_space<hbm>> -> memref<640x128xf32, #tpu.memory_space<hbm>>
        %dma_wait3A_29 = arith.constant 0 : i32
        %dma_wait3A_30 = tpu.memref_slice %arg12[%mul3A_7, %dma_wait3A_29] : memref<10240x128xf32, #tpu.memory_space<vmem_shared>> -> memref<640x128xf32, #tpu.memory_space<vmem_shared>>
        tpu.wait_dma2 semaphore(%run_scoped3A_16 : memref<!tpu.dma_semaphore, #tpu.memory_space<semaphore_mem>>) src(%dma_wait3A_30 : memref<640x128xf32, #tpu.memory_space<vmem_shared>>) dst(%dma_wait3A_28 : memref<640x128xf32, #tpu.memory_space<hbm>>)
        tpu.yield
      }) : () -> ()
      %run_scoped3A_15 = arith.constant 1 : i32
      "tpu.region"() ({
        %run_scoped3A_16 = tpu.sem_alloc : memref<!tpu.dma_semaphore, #tpu.memory_space<semaphore_mem>>
        %dma_start3A = arith.constant 0 : i32
        %dma_start3A_17 = arith.constant 0 : i32
        %dma_start3A_18 = tpu.memref_slice %arg11[%run_scoped3A_15, %dma_start3A, %dma_start3A_17] : memref<2x16x10240xf32, #tpu.memory_space<hbm>> -> memref<1x16x10240xf32, #tpu.memory_space<hbm>>
        %dma_start3A_19 = tpu.memref_squeeze %dma_start3A_18 : memref<1x16x10240xf32, #tpu.memory_space<hbm>> -> memref<16x10240xf32, #tpu.memory_space<hbm>>
        %dma_start3A_20 = arith.constant 0 : i32
        %dma_start3A_21 = tpu.memref_slice %dma_start3A_19[%arg1, %dma_start3A_20] : memref<16x10240xf32, #tpu.memory_space<hbm>> -> memref<1x10240xf32, #tpu.memory_space<hbm>>
        %dma_start3A_22 = tpu.memref_squeeze %dma_start3A_21 : memref<1x10240xf32, #tpu.memory_space<hbm>> -> memref<10240xf32, #tpu.memory_space<hbm>>
        %dma_start3A_23 = arith.constant 0 : i32
        %dma_start3A_24 = arith.constant 0 : i32
        %dma_start3A_25 = tpu.memref_slice %arg11[%run_scoped3A_15, %dma_start3A_23, %dma_start3A_24] : memref<2x16x10240xf32, #tpu.memory_space<hbm>> -> memref<1x16x10240xf32, #tpu.memory_space<hbm>>
        %dma_start3A_26 = tpu.memref_squeeze %dma_start3A_25 : memref<1x16x10240xf32, #tpu.memory_space<hbm>> -> memref<16x10240xf32, #tpu.memory_space<hbm>>
        %dma_start3A_27 = arith.constant 0 : i32
        %dma_start3A_28 = tpu.memref_slice %dma_start3A_26[%arg1, %dma_start3A_27] : memref<16x10240xf32, #tpu.memory_space<hbm>> -> memref<1x10240xf32, #tpu.memory_space<hbm>>
        %dma_start3A_29 = tpu.memref_squeeze %dma_start3A_28 : memref<1x10240xf32, #tpu.memory_space<hbm>> -> memref<10240xf32, #tpu.memory_space<hbm>>
        tpu.enqueue_dma source(%arg17 : memref<10240xf32, #tpu.memory_space<vmem>>) target(%dma_start3A_29 : memref<10240xf32, #tpu.memory_space<hbm>>) target_semaphore(%run_scoped3A_16 : memref<!tpu.dma_semaphore, #tpu.memory_space<semaphore_mem>>)
        %dma_wait3A = arith.constant 0 : i32
        %dma_wait3A_30 = arith.constant 0 : i32
        %dma_wait3A_31 = tpu.memref_slice %arg11[%run_scoped3A_15, %dma_wait3A, %dma_wait3A_30] : memref<2x16x10240xf32, #tpu.memory_space<hbm>> -> memref<1x16x10240xf32, #tpu.memory_space<hbm>>
        %dma_wait3A_32 = tpu.memref_squeeze %dma_wait3A_31 : memref<1x16x10240xf32, #tpu.memory_space<hbm>> -> memref<16x10240xf32, #tpu.memory_space<hbm>>
        %dma_wait3A_33 = arith.constant 0 : i32
        %dma_wait3A_34 = tpu.memref_slice %dma_wait3A_32[%arg1, %dma_wait3A_33] : memref<16x10240xf32, #tpu.memory_space<hbm>> -> memref<1x10240xf32, #tpu.memory_space<hbm>>
        %dma_wait3A_35 = tpu.memref_squeeze %dma_wait3A_34 : memref<1x10240xf32, #tpu.memory_space<hbm>> -> memref<10240xf32, #tpu.memory_space<hbm>>
        %dma_wait3A_36 = arith.constant 0 : i32
        %dma_wait3A_37 = arith.constant 0 : i32
        %dma_wait3A_38 = tpu.memref_slice %arg11[%run_scoped3A_15, %dma_wait3A_36, %dma_wait3A_37] : memref<2x16x10240xf32, #tpu.memory_space<hbm>> -> memref<1x16x10240xf32, #tpu.memory_space<hbm>>
        %dma_wait3A_39 = tpu.memref_squeeze %dma_wait3A_38 : memref<1x16x10240xf32, #tpu.memory_space<hbm>> -> memref<16x10240xf32, #tpu.memory_space<hbm>>
        %dma_wait3A_40 = arith.constant 0 : i32
        %dma_wait3A_41 = tpu.memref_slice %dma_wait3A_39[%arg1, %dma_wait3A_40] : memref<16x10240xf32, #tpu.memory_space<hbm>> -> memref<1x10240xf32, #tpu.memory_space<hbm>>
        %dma_wait3A_42 = tpu.memref_squeeze %dma_wait3A_41 : memref<1x10240xf32, #tpu.memory_space<hbm>> -> memref<10240xf32, #tpu.memory_space<hbm>>
        tpu.wait_dma2 semaphore(%run_scoped3A_16 : memref<!tpu.dma_semaphore, #tpu.memory_space<semaphore_mem>>) src(%arg17 : memref<10240xf32, #tpu.memory_space<vmem>>) dst(%dma_wait3A_42 : memref<10240xf32, #tpu.memory_space<hbm>>)
        tpu.yield
      }) : () -> ()
    } else {
    }
    return
  }
}

module attributes {stable_mosaic.version = 14 : i64} {
  func.func @_dense_body(%arg0: i32, %arg1: i32, %arg2: memref<1x2000x128xf32, #tpu.memory_space<vmem>>, %arg3: memref<1x2000x16xf32, #tpu.memory_space<vmem>>, %arg4: memref<1x2000x128xf32, #tpu.memory_space<vmem>>, %arg5: memref<1x128x128xf32, #tpu.memory_space<vmem>>, %arg6: memref<1x1x128xf32, #tpu.memory_space<vmem>>, %arg7: memref<1x128x128xf32, #tpu.memory_space<vmem>>, %arg8: memref<1x128x128xf32, #tpu.memory_space<vmem>>, %arg9: memref<1x1x128xf32, #tpu.memory_space<vmem>>, %arg10: memref<1x2000x128xf32, #tpu.memory_space<vmem>>) attributes {dimension_semantics = [#tpu.dimension_semantics<arbitrary>, #tpu.dimension_semantics<arbitrary>], iteration_bounds = array<i64: 2, 5>, scalar_prefetch = 0 : i64, scratch_operands = 0 : i64, tpu.core_type = #tpu.core_type<tc>, window_params = [{transform_indices = @transform_0, window_bounds = array<i64: 1, 2000, 128>}, {transform_indices = @transform_1, window_bounds = array<i64: 1, 2000, 16>}, {transform_indices = @transform_2, window_bounds = array<i64: 1, 2000, 128>}, {transform_indices = @transform_3, window_bounds = array<i64: 1, 128, 128>}, {transform_indices = @transform_4, window_bounds = array<i64: 1, 1, 128>}, {transform_indices = @transform_5, window_bounds = array<i64: 1, 128, 128>}, {transform_indices = @transform_6, window_bounds = array<i64: 1, 128, 128>}, {transform_indices = @transform_7, window_bounds = array<i64: 1, 1, 128>}, {transform_indices = @transform_8, window_bounds = array<i64: 1, 2000, 128>}]} {
    %get3A = arith.constant 0 : index
    %get3A_0 = arith.constant 0 : index
    %get3A_1 = arith.constant 0 : index
    %get3A_2 = vector.load %arg3[%get3A, %get3A_0, %get3A_1] : memref<1x2000x16xf32, #tpu.memory_space<vmem>>, vector<1x2000x16xf32>
    %get3A_3 = vector.shape_cast %get3A_2 : vector<1x2000x16xf32> to vector<2000x16xf32>
    %reduce_sum3A = arith.constant dense<0.000000e+00> : vector<2000xf32>
    %reduce_sum3A_4 = vector.multi_reduction <add>, %get3A_3, %reduce_sum3A [1] : vector<2000x16xf32> to vector<2000xf32>
    %broadcast_in_dim3A = vector.shape_cast %reduce_sum3A_4 : vector<2000xf32> to vector<2000x1xf32>
    %max3A = arith.constant 1.000000e+00 : f32
    %max3A_5 = vector.broadcast %max3A : f32 to vector<2000x1xf32>
    %max3A_6 = arith.maximumf %broadcast_in_dim3A, %max3A_5 : vector<2000x1xf32>
    %get3A_7 = arith.constant 0 : index
    %get3A_8 = arith.constant 0 : index
    %get3A_9 = arith.constant 0 : index
    %get3A_10 = vector.load %arg2[%get3A_7, %get3A_8, %get3A_9] : memref<1x2000x128xf32, #tpu.memory_space<vmem>>, vector<1x2000x128xf32>
    %get3A_11 = vector.shape_cast %get3A_10 : vector<1x2000x128xf32> to vector<2000x128xf32>
    %div3A = vector.broadcast %max3A_6 : vector<2000x1xf32> to vector<2000x128xf32>
    %div3A_12 = arith.divf %get3A_11, %div3A : vector<2000x128xf32>
    %get3A_13 = arith.constant 0 : index
    %get3A_14 = arith.constant 0 : index
    %get3A_15 = arith.constant 0 : index
    %get3A_16 = vector.load %arg5[%get3A_13, %get3A_14, %get3A_15] : memref<1x128x128xf32, #tpu.memory_space<vmem>>, vector<1x128x128xf32>
    %get3A_17 = vector.shape_cast %get3A_16 : vector<1x128x128xf32> to vector<128x128xf32>
    %dot_general3A = arith.constant dense<0.000000e+00> : vector<2000x128xf32>
    %dot_general3A_18 = tpu.matmul %div3A_12, %get3A_17, %dot_general3A {dimension_numbers = #tpu.dot_dimension_numbers<[1], [1], [0], [0], [0, 0, 1, 0], [], []>, transpose_lhs_hint = false} : vector<2000x128xf32>, vector<128x128xf32>, vector<2000x128xf32> -> vector<2000x128xf32>
    %get3A_19 = arith.constant 0 : index
    %get3A_20 = arith.constant 0 : index
    %get3A_21 = arith.constant 0 : index
    %get3A_22 = vector.load %arg6[%get3A_19, %get3A_20, %get3A_21] : memref<1x1x128xf32, #tpu.memory_space<vmem>>, vector<1x1x128xf32>
    %get3A_23 = vector.shape_cast %get3A_22 : vector<1x1x128xf32> to vector<1x128xf32>
    %add3A = vector.broadcast %get3A_23 : vector<1x128xf32> to vector<2000x128xf32>
    %add3A_24 = arith.addf %dot_general3A_18, %add3A : vector<2000x128xf32>
    %get3A_25 = arith.constant 0 : index
    %get3A_26 = arith.constant 0 : index
    %get3A_27 = arith.constant 0 : index
    %get3A_28 = vector.load %arg4[%get3A_25, %get3A_26, %get3A_27] : memref<1x2000x128xf32, #tpu.memory_space<vmem>>, vector<1x2000x128xf32>
    %get3A_29 = vector.shape_cast %get3A_28 : vector<1x2000x128xf32> to vector<2000x128xf32>
    %get3A_30 = arith.constant 0 : index
    %get3A_31 = arith.constant 0 : index
    %get3A_32 = arith.constant 0 : index
    %get3A_33 = vector.load %arg7[%get3A_30, %get3A_31, %get3A_32] : memref<1x128x128xf32, #tpu.memory_space<vmem>>, vector<1x128x128xf32>
    %get3A_34 = vector.shape_cast %get3A_33 : vector<1x128x128xf32> to vector<128x128xf32>
    %dot_general3A_35 = arith.constant dense<0.000000e+00> : vector<2000x128xf32>
    %dot_general3A_36 = tpu.matmul %get3A_29, %get3A_34, %dot_general3A_35 {dimension_numbers = #tpu.dot_dimension_numbers<[1], [1], [0], [0], [0, 0, 1, 0], [], []>, transpose_lhs_hint = false} : vector<2000x128xf32>, vector<128x128xf32>, vector<2000x128xf32> -> vector<2000x128xf32>
    %add3A_37 = arith.addf %add3A_24, %dot_general3A_36 : vector<2000x128xf32>
    %get3A_38 = arith.constant 0 : index
    %get3A_39 = arith.constant 0 : index
    %get3A_40 = arith.constant 0 : index
    %get3A_41 = vector.load %arg8[%get3A_38, %get3A_39, %get3A_40] : memref<1x128x128xf32, #tpu.memory_space<vmem>>, vector<1x128x128xf32>
    %get3A_42 = vector.shape_cast %get3A_41 : vector<1x128x128xf32> to vector<128x128xf32>
    %dot_general3A_43 = arith.constant dense<0.000000e+00> : vector<2000x128xf32>
    %dot_general3A_44 = tpu.matmul %add3A_37, %get3A_42, %dot_general3A_43 {dimension_numbers = #tpu.dot_dimension_numbers<[1], [1], [0], [0], [0, 0, 1, 0], [], []>, transpose_lhs_hint = false} : vector<2000x128xf32>, vector<128x128xf32>, vector<2000x128xf32> -> vector<2000x128xf32>
    %get3A_45 = arith.constant 0 : index
    %get3A_46 = arith.constant 0 : index
    %get3A_47 = arith.constant 0 : index
    %get3A_48 = vector.load %arg9[%get3A_45, %get3A_46, %get3A_47] : memref<1x1x128xf32, #tpu.memory_space<vmem>>, vector<1x1x128xf32>
    %get3A_49 = vector.shape_cast %get3A_48 : vector<1x1x128xf32> to vector<1x128xf32>
    %add3A_50 = vector.broadcast %get3A_49 : vector<1x128xf32> to vector<2000x128xf32>
    %add3A_51 = arith.addf %dot_general3A_44, %add3A_50 : vector<2000x128xf32>
    %max3A_52 = arith.constant 0.000000e+00 : f32
    %max3A_53 = vector.broadcast %max3A_52 : f32 to vector<2000x128xf32>
    %max3A_54 = arith.maximumf %add3A_51, %max3A_53 : vector<2000x128xf32>
    %broadcast_in_dim3A_55 = vector.shape_cast %max3A_54 : vector<2000x128xf32> to vector<1x2000x128xf32>
    %swap3A = arith.constant 0 : index
    %swap3A_56 = arith.constant 0 : index
    %swap3A_57 = arith.constant 0 : index
    %swap3A_58 = vector.load %arg10[%swap3A, %swap3A_56, %swap3A_57] : memref<1x2000x128xf32, #tpu.memory_space<vmem>>, vector<1x2000x128xf32>
    tpu.vector_store %arg10[%swap3A, %swap3A_56, %swap3A_57], %broadcast_in_dim3A_55 {strides = array<i32>} : memref<1x2000x128xf32, #tpu.memory_space<vmem>>, vector<1x2000x128xf32>,
    return
  }
  func.func @transform_0(%arg0: i32, %arg1: i32) -> (i32, i32, i32) {
    %c0_i32 = arith.constant 0 : i32
    %c0_i32_0 = arith.constant 0 : i32
    return %arg0, %arg1, %c0_i32 : i32, i32, i32
  }
  func.func @transform_1(%arg0: i32, %arg1: i32) -> (i32, i32, i32) {
    %c0_i32 = arith.constant 0 : i32
    %c0_i32_0 = arith.constant 0 : i32
    return %arg0, %arg1, %c0_i32 : i32, i32, i32
  }
  func.func @transform_2(%arg0: i32, %arg1: i32) -> (i32, i32, i32) {
    %c0_i32 = arith.constant 0 : i32
    %c0_i32_0 = arith.constant 0 : i32
    return %arg0, %arg1, %c0_i32 : i32, i32, i32
  }
  func.func @transform_3(%arg0: i32, %arg1: i32) -> (i32, i32, i32) {
    %c0_i32 = arith.constant 0 : i32
    %c0_i32_0 = arith.constant 0 : i32
    %c0_i32_1 = arith.constant 0 : i32
    return %arg0, %c0_i32, %c0_i32_0 : i32, i32, i32
  }
  func.func @transform_4(%arg0: i32, %arg1: i32) -> (i32, i32, i32) {
    %c0_i32 = arith.constant 0 : i32
    %c0_i32_0 = arith.constant 0 : i32
    %c0_i32_1 = arith.constant 0 : i32
    return %arg0, %c0_i32, %c0_i32_0 : i32, i32, i32
  }
  func.func @transform_5(%arg0: i32, %arg1: i32) -> (i32, i32, i32) {
    %c0_i32 = arith.constant 0 : i32
    %c0_i32_0 = arith.constant 0 : i32
    %c0_i32_1 = arith.constant 0 : i32
    return %arg0, %c0_i32, %c0_i32_0 : i32, i32, i32
  }
  func.func @transform_6(%arg0: i32, %arg1: i32) -> (i32, i32, i32) {
    %c0_i32 = arith.constant 0 : i32
    %c0_i32_0 = arith.constant 0 : i32
    %c0_i32_1 = arith.constant 0 : i32
    return %arg0, %c0_i32, %c0_i32_0 : i32, i32, i32
  }
  func.func @transform_7(%arg0: i32, %arg1: i32) -> (i32, i32, i32) {
    %c0_i32 = arith.constant 0 : i32
    %c0_i32_0 = arith.constant 0 : i32
    %c0_i32_1 = arith.constant 0 : i32
    return %arg0, %c0_i32, %c0_i32_0 : i32, i32, i32
  }
  func.func @transform_8(%arg0: i32, %arg1: i32) -> (i32, i32, i32) {
    %c0_i32 = arith.constant 0 : i32
    %c0_i32_0 = arith.constant 0 : i32
    return %arg0, %arg1, %c0_i32 : i32, i32, i32
  }
}

</mosaic_0001>

<sc_bundles>
// kernel: kernel.4.cloned.1.call-start
scs
__scs_entry_jumppad:
0x0: {  	(pc) =	sbr.rel $0x88, $3  }
0x1: {  	(tag) =	ssettag $0x0;
	lr =	simm.s32 $0x1  }
0x2: {  	[smem:$0x3F93] =	sst lr;
	_ =	strace $0xD0000000  }
0x3: {  	_ = 	snop  }
0x4: {  	_ = 	snop  }
0x5: {  	_ = 	snop  }
0x6: {  	_ = 	snop  }
0x7: {  	_ = 	snop  }
__scs_overlays_trampoline_lowered:
0x8: {  	[smem:$0x3FA2] =	sst s0  }
0x9: {  	[smem:$0x3FA3] =	sst s1  }
0xa: {  	[smem:$0x3FA4] =	sst s2  }
0xb: {  	[smem:$0x3FA5] =	sst s3  }
0xc: {  	[smem:$0x3FA6] =	sst s4  }
0xd: {  	[smem:$0x3FA7] =	sst s5  }
0xe: {  	[smem:$0x3FA8] =	sst s6  }
0xf: {  	[smem:$0x3FA9] =	sst s7  }
0x10: {  	[smem:$0x3FAA] =	sst s8  }
0x11: {  	[smem:$0x3FAB] =	sst s9;
	s0 =	simm.s32 @!p0 $0x0  }
0x12: {  	s1 =	sld [smem:$0x3F91];
	s0 =	simm.s32 @p0 $0x1  }
0x13: {  	[smem:$0x3FAC] =	sst s0;
	s0 =	simm.s32 @!p1 $0x0  }
0x14: {  	s2 =	sld [smem:$0x3F90];
	s0 =	simm.s32 @p1 $0x1  }
0x15: {  	[smem:$0x3FAD] =	sst s0;
	s0 =	simm.s32 @!p2 $0x0  }
0x16: {  	s3 =	sld [smem:$0x3FDB];
	s0 =	simm.s32 @p2 $0x1  }
0x17: {  	s4 =	simm.s32 $0x1BF5;
	[smem:$0x3FAF] =	sst s0  }
0x18: {  	s0 =	sld [smem:$0x3F92];
	_ =	swait.ge [sflag:s4], $0x0  }
0x19: {  	s7 =	sld [smem:$0x3F93]  }
0x1a: {  	s8 =	sadd.s32 $0xFFFFE003, lr  }
0x1b: {  	s9 =	sadd.s32 $0xFFFFFEF7, lr;
	s5 =	simm.s32 $0xFFFFFFFF;
	p2 =	slt.u32 s8, $0xFFFFF086  }
0x1c: {  	p1 =	slt.u32 s9, $0xF7A;
	s5 =	simm.s32 @!p2 $0x0  }
0x1d: {  	s5 =	simm.s32 @p1 $0x1;
	p0 =	seq.s32 s7, s2  }
0x1e: {  	s7 =	smul.u32 @!p0 $0xF7A, s2;
	p2 =	seq.s32 @!p0 s5, $0x0  }
0x1f: {  	s9 =	smul.u32 $0xF7A, s1;
	s8 =	simm.s32 @!p0 $0x1BF5;
	p2 =	por !p2, p0  }
0x20: {  	[sflag:s8] =	ssyncset.s32 @!p0 $0xFFFFF086;
	s6 =	sadd.s32 @!p0 s3, s7;
	s7 =	simm.s32 @!p0 $0x108  }
0x21: {  	s3 =	sadd.s32 s3, s9;
	s6 =	sadd.s32 @!p0 $0x88, s6;
	s7 =	simm.s32 @p2 $0x1082  }
0x22: {  	[simem:s7], [sflag:s8] =	dma.local @!p0 [hbm:s6], $0xF7A  }
0x23: {  	s9 =	sor.u32 $0xD0000000, s2;
	s6 =	simm.s32 $0x108;
	_ =	swait.ge @!p0 [sflag:s8], $0x0  }
0x24: {  	s3 =	sadd.s32 $0x88, s3;
	s6 =	simm.s32 @!p1 $0x1082;
	[sflag:s4] =	ssyncset.s32 $0xFFFFF086  }
0x25: {  	[simem:s6], [sflag:s4] =	dma.local [hbm:s3], $0xF7A  }
0x26: {  	[smem:$0x3F93] =	sst s1;
	(tag) =	ssettag s2;
	_ =	strace s9  }
0x27: {  	s1 =	sld [smem:$0x3FA3]  }
0x28: {  	s2 =	sld [smem:$0x3FA4]  }
0x29: {  	s4 =	sld [smem:$0x3FA6]  }
0x2a: {  	p0 =	seq.s32 s5, $0x0;
	s5 =	sld [smem:$0x3FA7]  }
0x2b: {  	s6 =	sld [smem:$0x3FA8]  }
0x2c: {  	s7 =	sld [smem:$0x3FA9]  }
0x2d: {  	s3 =	simm.s32 $0x108;
	s8 =	sld [smem:$0x3FAA]  }
0x2e: {  	s3 =	simm.s32 @!p0 $0x1082;
	s9 =	sld [smem:$0x3FAB]  }
0x2f: {  	lr =	sadd.s32 s0, s3;
	s0 =	sld [smem:$0x3FA2]  }
0x30: {  	s3 =	sld [smem:$0x3FA5]  }
0x31: {  	[smem:$0x3FAE] =	sst s10  }
0x32: {  	s10 =	sld [smem:$0x3FAC];
	_ =	sdelay $0x3  }
0x33: {  	p0 =	seq.s32 s10, $0x1;
	s10 =	sld [smem:$0x3FAE];
	_ =	sdelay $0x3  }
0x34: {  	[smem:$0x3FAE] =	sst s10  }
0x35: {  	s10 =	sld [smem:$0x3FAD];
	_ =	sdelay $0x3  }
0x36: {  	p1 =	seq.s32 s10, $0x1;
	s10 =	sld [smem:$0x3FAE];
	_ =	sdelay $0x3  }
0x37: {  	[smem:$0x3FAE] =	sst s10  }
0x38: {  	s10 =	sld [smem:$0x3FAF]  }
0x39: {  	_ = 	snop;
	(pc) =	sbr.ind lr, $3  }
0x3a: {  	_ = 	snop  }
0x3b: {  	_ = 	snop  }
0x3c: {  	p2 =	seq.s32 s10, $0x1;
	s10 =	sld [smem:$0x3FAE]  }
0x3d: {  	_ =	shalt  }
0x3e: {  	_ =	shalt  }
0x3f: {  	_ =	shalt  }
0x40: {  	_ =	shalt  }
0x41: {  	_ =	shalt  }
0x42: {  	_ =	shalt  }
0x43: {  	_ =	shalt  }
0x44: {  	_ =	shalt  }
0x45: {  	_ =	shalt  }
0x46: {  	_ =	shalt  }
0x47: {  	_ =	shalt  }
0x48: {  	_ =	shalt  }
0x49: {  	_ =	shalt  }
0x4a: {  	_ =	shalt  }
0x4b: {  	_ =	shalt  }
0x4c: {  	_ =	shalt  }
0x4d: {  	_ =	shalt  }
0x4e: {  	_ =	shalt  }
0x4f: {  	_ =	shalt  }
0x50: {  	_ =	shalt  }
0x51: {  	_ =	shalt  }
0x52: {  	_ =	shalt  }
0x53: {  	_ =	shalt  }
0x54: {  	_ =	shalt  }
0x55: {  	_ =	shalt  }
0x56: {  	_ =	shalt  }
0x57: {  	_ =	shalt  }
0x58: {  	_ =	shalt  }
0x59: {  	_ =	shalt  }
0x5a: {  	_ =	shalt  }
0x5b: {  	_ =	shalt  }
0x5c: {  	_ =	shalt  }
0x5d: {  	_ =	shalt  }
0x5e: {  	_ =	shalt  }
0x5f: {  	_ =	shalt  }
0x60: {  	_ =	shalt  }
0x61: {  	_ =	shalt  }
0x62: {  	_ =	shalt  }
0x63: {  	_ =	shalt  }
0x64: {  	_ =	shalt  }
0x65: {  	_ =	shalt  }
0x66: {  	_ =	shalt  }
0x67: {  	_ =	shalt  }
0x68: {  	_ =	shalt  }
0x69: {  	_ =	shalt  }
0x6a: {  	_ =	shalt  }
0x6b: {  	_ =	shalt  }
0x6c: {  	_ =	shalt  }
0x6d: {  	_ =	shalt  }
0x6e: {  	_ =	shalt  }
0x6f: {  	_ =	shalt  }
0x70: {  	_ =	shalt  }
0x71: {  	_ =	shalt  }
0x72: {  	_ =	shalt  }
0x73: {  	_ =	shalt  }
0x74: {  	_ =	shalt  }
0x75: {  	_ =	shalt  }
0x76: {  	_ =	shalt  }
0x77: {  	_ =	shalt  }
0x78: {  	_ =	shalt  }
0x79: {  	_ =	shalt  }
0x7a: {  	_ =	shalt  }
0x7b: {  	_ =	shalt  }
0x7c: {  	_ =	shalt  }
0x7d: {  	_ =	shalt  }
0x7e: {  	_ =	shalt  }
0x7f: {  	_ =	shalt  }
0x80: {  	_ =	shalt  }
0x81: {  	_ =	shalt  }
0x82: {  	_ =	shalt  }
0x83: {  	_ =	shalt  }
0x84: {  	_ =	shalt  }
0x85: {  	_ =	shalt  }
0x86: {  	_ =	shalt  }
0x87: {  	_ =	shalt  }
.Lfunc_end0:
.L_simem_size_0:
called_computation_lowered:
.L_overlay_start_0:
0x88: {  	s2 =	sld [smem:$0x3FD9]  }
0x89: {  	s3 =	sld [smem:$0x3FFE];
	_ =	sdelay $0x1  }
0x8a: {  	s1 =	srdreg.scid  }
0x8b: {  	s0 =	sand.u32 $0x1, s1  }
0x8c: {  	s14 =	sshll.u32 s0, $0xA;
	s2 =	sadd.s32 s3, s2  }
0x8d: {  	s2 =	sadd.s32 s2, s14  }
0x8e: {  	[smem:$0x3FBA] =	sst s2  }
0x8f: {  	_ = 	snop  }
0x90: {  	s2 =	sld [smem:$0x3FD0];
	_ =	sdelay $0x1  }
0x91: {  	s15 =	sld [smem:$0x3FC9]  }
0x92: {  	s5 =	simm.s32 $0xA;
	s6 =	simm.s32 $0x10;
	s4 =	sld [smem:$0x3FC8]  }
0x93: {  	[smem:s6], [sflag:s5] =	dma.local [hbm:s2], $0x1  }
0x94: {  	_ =	swait.eq [sflag:s5], $0x1  }
0x95: {  	[sflag:s5] =	ssyncset.done $0x0  }
0x96: {  	s16 =	sld [smem:$0x10];
	[sflag:s5] =	ssyncadd.s32 $0xFFFFFFFF  }
0x97: {  	s17 =	sld [smem:$0x11];
	(tm) =	ssettm $0x1  }
0x98: {  	s18 =	sld [smem:$0x3FFB];
	_ =	sdelay $0x3  }
0x99: {  	_ =	strace s18  }
0x9a: {  	s6 =	sld [smem:$0x3FFC];
	_ =	sdelay $0x3  }
0x9b: {  	_ =	strace s6  }
0x9c: {  	s6 =	sld [smem:$0x3FFD];
	_ =	sdelay $0x3  }
0x9d: {  	_ =	strace s6  }
0x9e: {  	_ =	strace $0x8FFFFFFF  }
0x9f: {  	s19 =	sld [smem:$0x3FDB];
	_ =	sdelay $0x1  }
0xa0: {  	s7 =	simm.s32 $_scs_section_size  }
0xa1: {  	s8 =	simm.s32 $_size__tile_overlayer_lowered;
	s9 =	simm.s32 $_tile_overlayer_lowered  }
0xa2: {  	s22 =	simm.s32 $0x1BFF;
	s21 =	sshll.u32 s9, $0x1;
	s6 =	sadd.s32 s7, s19  }
0xa3: {  	s10 =	simm.s32 $0x0;
	s20 =	sshll.u32 s8, $0x1;
	s8 =	sadd.s32 s21, s6  }
0xa4: {  	[timem:s10], [sflag:s22] =	dma.local [hbm:s8], s20  }
0xa5: {  	_ =	swait.ge [sflag:s22], s20  }
0xa6: {  	s7 =	ssub.s32 $0x0, s20;
	[sflag:s22] =	ssyncset.done $0x0  }
0xa7: {  	[sflag:s22] =	ssyncadd.s32 s7;
	_ =	sdelay $0x1  }
0xa8: {  	s23 =	simm.s32 $0x1B8B  }
0xa9: {  	_ =	swait.ge [sflag:s23], $0x1  }
0xaa: {  	[sflag:s23] =	ssyncset.done $0x0  }
0xab: {  	s25 =	simm.s32 $0x1B8E;
	s24 =	sld [smem:$0x3FFE];
	[sflag:s23] =	ssyncadd.s32 $0xFFFFFFFF  }
0xac: {  	s26 =	simm.s32 $execute0_lowered;
	[smem:$0x3FD2] =	sst s25  }
0xad: {  	s8 =	sshll.u32 s26, $0x1;
	_ =	strace $0x80000046;
	[dreg:$0x1] =	wrdreg $0xFFFFFFFF  }
0xae: {  	s28 =	simm.s32 $_size_execute0_lowered;
	s6 =	sadd.s32 s6, s8;
	[dreg:$0x0] =	wrdreg $0x0  }
0xaf: {  	s8 =	sshll.u32 s28, $0x1;
	[dreg:$0x2] =	wrdreg s6  }
0xb0: {  	[dreg:$0x3] =	wrdreg s8  }
0xb1: {  	[dreg:$0x4] =	wrdreg $0xC0  }
0xb2: {  	_ =	task [dreg:s10], $0x5FFFF  }
0xb3: {  	[dreg:$0x1] =	wrdreg $0xFFFFFFFF  }
0xb4: {  	[dreg:$0x0] =	wrdreg $0x60  }
0xb5: {  	[dreg:$0x2] =	wrdreg s15  }
0xb6: {  	[dreg:$0x3] =	wrdreg s4  }
0xb7: {  	[dreg:$0x4] =	wrdreg s16  }
0xb8: {  	[dreg:$0x5] =	wrdreg s17  }
0xb9: {  	[dreg:$0x6] =	wrdreg s24  }
0xba: {  	[dreg:$0x7] =	wrdreg $0x0  }
0xbb: {  	[dreg:$0x8] =	wrdreg $0x9  }
0xbc: {  	_ =	task.clear_ibuf [dreg:s10], $0x9FFFF;
	_ =	strace $0x90000046  }
0xbd: {  	s29 =	simm.s32 $0x9;
	_ =	strace $0x80000048  }
0xbe: {  	_ =	swait.ge [sflag:s29], $0x1  }
0xbf: {  	[sflag:s29] =	ssyncadd.s32 $0xFFFFFFFF  }
0xc0: {  	_ =	strace $0x90000048  }
0xc1: {  	_ =	sfence  }
0xc2: {  	s30 =	sld [smem:$0x0];
	_ =	sdelay $0x2  }
0xc3: {  	s31 =	sshll.u32 s1, $0xD;
	s1 =	sshrl.u32 s1, $0x2  }
0xc4: {  	s3 =	sand.u32 $0x4000, s31;
	s1 =	sadd.s32 s1, s30  }
0xc5: {  	s0 =	sor.u32 s3, s0;
	s1 =	sshll.u32 s1, $0x11  }
0xc6: {  	s0 =	sor.u32 s1, s0  }
0xc7: {  	s0 =	sadd.s32 $0x8F2B, s0  }
0xc8: {  	[sflag:s0] =	ssyncadd.remote.s32 $0x1  }
0xc9: {  	_ =	sfence.sel $0xFFFF  }
0xca: {  	[dreg:$0x0] =	wrdreg $0xFFFFFFFF;
	(pc) =	sbr.abs _section_cstart, $3  }
0xcb: {  	[dreg:$0x1] =	wrdreg $0xFFFFFFFF  }
0xcc: {  	_ =	task.clear_ibuf [dreg:s10], $0x2FFFF;
	_ =	strace $0x9FFFFFFF  }
0xcd: {  	(tm) =	ssettm $0x7FFFFFFF  }
tec
execute0_lowered:
.L_overlay_start_1:
0x0: {  	(tag) =	ssettag $0x1  }
0x1: {  	s1 =	rddreg [dreg:$0x0]  }
0x2: {  	s2 =	rddreg [dreg:$0x1]  }
0x3: {  	s3 =	rddreg [dreg:$0x2]  }
0x4: {  	s4 =	rddreg [dreg:$0x3]  }
0x5: {  	s0 =	rddreg [dreg:$0x4]  }
0x6: {  	s5 =	rddreg [dreg:$0x5];
	s6 =	simm.s32 $0x0  }
0x7: {  	s16 =	stileid.u32;
	s11 =	srdreg.scid;
	s28 =	simm.s32 $0x19000  }
0x8: {  	s29 =	simm.s32 $0x1;
	s30 =	simm.s32 $0x2;
	s31 =	simm.s32 $0x3  }
0x9: {  	[smem:$0x7FF] =	sst s6;
	s8 =	sadd.s32 $0xC000, s0;
	s9 =	sadd.s32 $0x2000, s0  }
0xa: {  	s14 =	sadd.s32 $0x16600, s0;
	s15 =	sshrl.u32 s16, $0x3;
	s7 =	sadd.s32 $0x16000, s0  }
0xb: {  	s17 =	sshll.u32 s16, $0x7;
	s10 =	smul.u32 $0x2800, s16;
	s18 =	sand.u32 $0x1, s11  }
0xc: {  	s19 =	smul.u32 $0x50000, s16;
	_ =	strace $0x80000047;
	[dreg:$0x7] =	wrdreg s14  }
0xd: {  	s23 =	sadd.s32 $0x4AE00, s0;
	s24 =	sshll.u32 s16, $0x6;
	[dreg:$0x8] =	wrdreg s7  }
0xe: {  	s6 =	smul.u32 $0x14000, s15;
	s7 =	sand.u32 $0x380, s17;
	s12 =	ssub.s32 $0x2, s18  }
0xf: {  	p0 =	seq.s32 s18, $0x1;
	s18 =	simm.s32 $0x5;
	s13 =	sadd.s32 s10, s0  }
0x10: {  	s15 =	sshrl.u32 s12, $0x1;
	s11 =	sshrl.u32 s19, $0x2;
	s19 =	simm.s32 $0x1D000  }
0x11: {  	s26 =	sadd.s32 s10, s23;
	s23 =	simm.s32 $0x80;
	s6 =	sor.u32 s7, s6  }
0x12: {  	s15 =	ssub.s32 s12, s15;
	s20 =	sadd.s32 s11, s5;
	s12 =	smul.u32 $0x5000, s16  }
0x13: {  	s21 =	sadd.s32 $0x22E00, s13;
	[dreg:$0xd] =	wrdreg s26;
	s26 =	simm.s32 $0x14080  }
0x14: {  	s7 =	simm.s32 $0x4;
	s13 =	simm.s32 $0x14780;
	s6 =	sshrl.u32 s6, $0x3  }
0x15: {  	[dreg:$0x9] =	wrdreg s21;
	s25 =	smax.u32 s15, $0x1;
	s15 =	sor.u32 $0x1C05, s24  }
0x16: {  	s16 =	sshrl.u32 s20, $0x3;
	s20 =	simm.s32 $0x14000;
	s21 =	simm.s32 $0x14800  }
.Ltmp0:
0x17: {  	s24 =	simm.s32 $0x0;
	s14 =	sadd.s32 s6, s0;
	(pc) =	sbr.rel .LBB2_1-.Ltmp0, $4  }
0x18: {  	s0 =	sadd.s32 $0x1DE00, s0;
	[dreg:$0xb] =	wrdreg s25;
	s25 =	simm.s32 $0x15000  }
0x19: {  	[dreg:$0xc] =	wrdreg s16;
	s22 =	sadd.s32 $0x18E00, s14;
	s0 =	sadd.s32 s6, s0  }
0x1a: {  	s6 =	simm.s32 $0x14880;
	s14 =	simm.s32 $0x14F00;
	[dreg:$0xa] =	wrdreg s22  }
0x1b: {  	v0 =	vimm.f32 $1.000000000e+00;
	[dreg:$0xe] =	wrdreg s0;
	s0 =	simm.s32 $0x14100;
	s22 =	simm.s32 $0x14F80  }
.LBB2_10:
0x1c: {  	s11 =	simm.s32 $0x400  }
0x1d: {  	[hbm4b:s10+s23] =	stream.strided.scatter [tilespmem:s19], [sflag:$0x5], $0x2800, s11, s23, $0x38;
	[tilespmem:$0x1F800] =	vst v63  }
0x1e: {  	_ =	swait.ge [sflag:s18], $0x2800  }
0x1f: {  	s24 =	sadd.s32 $0x1, s24;
	s17 =	rddreg [dreg:$0xb]  }
0x20: {  	p1 =	sne.s32 s24, s17  }
.Ltmp1:
0x21: {  	_ = 	snop;
	(pc) =	sbr.rel @!p1 .LBB2_11-.Ltmp1, $3  }
0x22: {  	_ =	sdelay $0x1  }
0x23: {  	[sflag:s18] =	ssyncset.done $0x0  }
0x24: {  	[sflag:s18] =	ssyncadd.s32 $0xFFFFD800  }
.LBB2_1:
0x25: {  	s10 =	rddreg [dreg:$0x7]  }
0x26: {  	[spmem:s16], [sflag:s15] =	dma.local [hbm:s10], $0x2800  }
0x27: {  	_ =	swait.ge [sflag:s18], $0x2800  }
0x28: {  	[sflag:s18] =	ssyncset.done $0x0  }
0x29: {  	s16 =	simm.s32 $0x0;
	s11 =	rddreg [dreg:$0x8];
	[sflag:s18] =	ssyncadd.s32 $0xFFFFD800  }
0x2a: {  	[tilespmem:s19], [sflag:$0x5] =	stream.linear.gather [hbm4b:s11+s16], $0x2800, $0x38;
	[tilespmem:$0x1F800] =	vst v63  }
.Ltmp2:
0x2b: {  	_ =	swait.ge [sflag:s18], $0x2800;
	(pc) =	sbr.rel @!p0 .LBB2_2-.Ltmp2, $4  }
0x2c: {  	[sflag:s18] =	ssyncset.done $0x0  }
0x2d: {  	[sflag:s18] =	ssyncadd.s32 $0xFFFFD800  }
0x2e: {  	[bflag:$0x0] =	sbarrier.arrive $0xFFFF  }
0x2f: {  	s17 =	smov.u32 s15;
	s10 =	simm.s32 $0x0;
	s11 =	simm.s32 $0x0  }
.LBB2_6:
0x30: {  	s10 =	sshll.u32 s11, $0xB  }
0x31: {  	s10 =	sadd.s32 s12, s10  }
0x32: {  	s15 =	sshrl.u32 s10, $0x3  }
0x33: {  	s10 =	simm.s32 $0x0;
	s16 =	sadd.s32 s8, s15  }
0x34: {  	[tilespmem:s20], [sflag:$0x5] =	stream.linear.gather [hbm4b:s16+s10], $0x800, $0x38;
	[tilespmem:$0x1F800] =	vst v63  }
0x35: {  	_ =	swait.ge [sflag:s18], $0x800  }
0x36: {  	[sflag:s18] =	ssyncset.done $0x0  }
0x37: {  	s15 =	sadd.s32 s9, s15;
	[sflag:s18] =	ssyncadd.s32 $0xFFFFF800  }
0x38: {  	[tilespmem:s21], [sflag:$0x5] =	stream.linear.gather [hbm4b:s15+s10], $0x800, $0x38;
	[tilespmem:$0x1F800] =	vst v63  }
0x39: {  	_ =	swait.ge [sflag:s18], $0x800  }
0x3a: {  	[sflag:s18] =	ssyncset.done $0x0  }
0x3b: {  	[sflag:s18] =	ssyncadd.s32 $0xFFFFF800  }
0x3c: {  	[tilespmem:s25], [sflag:$0x1] =	stream.indirect.gather [hbm4b:s2+s23], $0x80, s20, s23, $0xb8;
	[tilespmem:$0x1F800] =	vst v63  }
0x3d: {  	_ = 	snop  }
0x3e: {  	[tilespmem:s28], [sflag:$0x2] =	stream.indirect.gather [hbm4b:s2+s23], $0x80, s26, s23, $0xb8;
	[tilespmem:$0x1F800] =	vst v63  }
0x3f: {  	_ =	swait.ge [sflag:s29], $0x4000  }
0x40: {  	[sflag:s29] =	ssyncset.done $0x0  }
0x41: {  	[sflag:s29] =	ssyncadd.s32 $0xFFFFC000  }
0x42: {  	[spmem:s5] =	stream.indirect.scatter.add.f32 [tilespmem:s25], [sflag:$0x3], $0x80, s21, s23, $0xb8;
	[tilespmem:$0x1F800] =	vst v63  }
0x43: {  	v1 =	vld [tilespmem:$0x14800];
	_ =	sdelay $0x7  }
0x44: {  	[tilespmem:v1+s19+$0x0] =	vst.idx.add.f32.msk $0xffff, v0  }
0x45: {  	v1 =	vld [tilespmem:$0x14810];
	_ =	sdelay $0x7  }
0x46: {  	[tilespmem:v1+s19+$0x0] =	vst.idx.add.f32.msk $0xffff, v0  }
0x47: {  	v1 =	vld [tilespmem:$0x14820];
	_ =	sdelay $0x7  }
0x48: {  	[tilespmem:v1+s19+$0x0] =	vst.idx.add.f32.msk $0xffff, v0  }
0x49: {  	v1 =	vld [tilespmem:$0x14830];
	_ =	sdelay $0x7  }
0x4a: {  	[tilespmem:v1+s19+$0x0] =	vst.idx.add.f32.msk $0xffff, v0  }
0x4b: {  	v1 =	vld [tilespmem:$0x14840];
	_ =	sdelay $0x7  }
0x4c: {  	[tilespmem:v1+s19+$0x0] =	vst.idx.add.f32.msk $0xffff, v0  }
0x4d: {  	v1 =	vld [tilespmem:$0x14850];
	_ =	sdelay $0x7  }
0x4e: {  	[tilespmem:v1+s19+$0x0] =	vst.idx.add.f32.msk $0xffff, v0  }
0x4f: {  	v1 =	vld [tilespmem:$0x14860];
	_ =	sdelay $0x7  }
0x50: {  	[tilespmem:v1+s19+$0x0] =	vst.idx.add.f32.msk $0xffff, v0  }
0x51: {  	v1 =	vld [tilespmem:$0x14870];
	_ =	sdelay $0x7  }
0x52: {  	[tilespmem:v1+s19+$0x0] =	vst.idx.add.f32.msk $0xffff, v0  }
0x53: {  	_ =	swait.ge [sflag:s30], $0x4000  }
0x54: {  	[sflag:s30] =	ssyncset.done $0x0  }
0x55: {  	[sflag:s30] =	ssyncadd.s32 $0xFFFFC000  }
0x56: {  	_ =	swait.ge [sflag:s31], $0x4000  }
0x57: {  	[sflag:s31] =	ssyncset.done $0x0  }
0x58: {  	[sflag:s31] =	ssyncadd.s32 $0xFFFFC000  }
0x59: {  	[tilespmem:s25], [sflag:$0x1] =	stream.indirect.gather [hbm4b:s2+s23], $0x80, s0, s23, $0xb8;
	[tilespmem:$0x1F800] =	vst v63  }
0x5a: {  	_ = 	snop  }
0x5b: {  	[spmem:s5] =	stream.indirect.scatter.add.f32 [tilespmem:s28], [sflag:$0x4], $0x80, s6, s23, $0xb8;
	[tilespmem:$0x1F800] =	vst v63  }
0x5c: {  	v1 =	vld [tilespmem:$0x14880];
	_ =	sdelay $0x7  }
0x5d: {  	[tilespmem:v1+s19+$0x0] =	vst.idx.add.f32.msk $0xffff, v0  }
0x5e: {  	v1 =	vld [tilespmem:$0x14890];
	_ =	sdelay $0x7  }
0x5f: {  	[tilespmem:v1+s19+$0x0] =	vst.idx.add.f32.msk $0xffff, v0  }
0x60: {  	v1 =	vld [tilespmem:$0x148A0];
	_ =	sdelay $0x7  }
0x61: {  	[tilespmem:v1+s19+$0x0] =	vst.idx.add.f32.msk $0xffff, v0  }
0x62: {  	v1 =	vld [tilespmem:$0x148B0];
	_ =	sdelay $0x7  }
0x63: {  	[tilespmem:v1+s19+$0x0] =	vst.idx.add.f32.msk $0xffff, v0  }
0x64: {  	v1 =	vld [tilespmem:$0x148C0];
	_ =	sdelay $0x7  }
0x65: {  	[tilespmem:v1+s19+$0x0] =	vst.idx.add.f32.msk $0xffff, v0  }
0x66: {  	v1 =	vld [tilespmem:$0x148D0];
	_ =	sdelay $0x7  }
0x67: {  	[tilespmem:v1+s19+$0x0] =	vst.idx.add.f32.msk $0xffff, v0  }
0x68: {  	v1 =	vld [tilespmem:$0x148E0];
	_ =	sdelay $0x7  }
0x69: {  	[tilespmem:v1+s19+$0x0] =	vst.idx.add.f32.msk $0xffff, v0  }
0x6a: {  	v1 =	vld [tilespmem:$0x148F0];
	_ =	sdelay $0x7  }
0x6b: {  	[tilespmem:v1+s19+$0x0] =	vst.idx.add.f32.msk $0xffff, v0  }
.LBB2_7:
0x6c: {  	_ =	swait.ge [sflag:s7], $0x4000  }
0x6d: {  	s15 =	sshra.s32 s10, $0x2;
	[sflag:s7] =	ssyncset.done $0x0  }
0x6e: {  	s16 =	sadd.s32 $0x14180, s15;
	[sflag:s7] =	ssyncadd.s32 $0xFFFFC000  }
0x6f: {  	[tilespmem:s28], [sflag:$0x2] =	stream.indirect.gather [hbm4b:s2+s23], $0x80, s16, s23, $0xb8;
	[tilespmem:$0x1F800] =	vst v63  }
0x70: {  	_ =	swait.ge [sflag:s29], $0x4000  }
0x71: {  	[sflag:s29] =	ssyncset.done $0x0  }
0x72: {  	s16 =	sadd.s32 $0x14900, s15;
	[sflag:s29] =	ssyncadd.s32 $0xFFFFC000  }
0x73: {  	[spmem:s5] =	stream.indirect.scatter.add.f32 [tilespmem:s25], [sflag:$0x3], $0x80, s16, s23, $0xb8;
	[tilespmem:$0x1F800] =	vst v63  }
0x74: {  	v1 =	vld [tilespmem:s15+$0x14900];
	_ =	sdelay $0x7  }
0x75: {  	[tilespmem:v1+s19+$0x0] =	vst.idx.add.f32.msk $0xffff, v0  }
0x76: {  	v1 =	vld [tilespmem:s15+$0x14910];
	_ =	sdelay $0x7  }
0x77: {  	[tilespmem:v1+s19+$0x0] =	vst.idx.add.f32.msk $0xffff, v0  }
0x78: {  	v1 =	vld [tilespmem:s15+$0x14920];
	_ =	sdelay $0x7  }
0x79: {  	[tilespmem:v1+s19+$0x0] =	vst.idx.add.f32.msk $0xffff, v0  }
0x7a: {  	v1 =	vld [tilespmem:s15+$0x14930];
	_ =	sdelay $0x7  }
0x7b: {  	[tilespmem:v1+s19+$0x0] =	vst.idx.add.f32.msk $0xffff, v0  }
0x7c: {  	v1 =	vld [tilespmem:s15+$0x14940];
	_ =	sdelay $0x7  }
0x7d: {  	[tilespmem:v1+s19+$0x0] =	vst.idx.add.f32.msk $0xffff, v0  }
0x7e: {  	v1 =	vld [tilespmem:s15+$0x14950];
	_ =	sdelay $0x7  }
0x7f: {  	[tilespmem:v1+s19+$0x0] =	vst.idx.add.f32.msk $0xffff, v0  }
0x80: {  	v1 =	vld [tilespmem:s15+$0x14960];
	_ =	sdelay $0x7  }
0x81: {  	[tilespmem:v1+s19+$0x0] =	vst.idx.add.f32.msk $0xffff, v0  }
0x82: {  	v1 =	vld [tilespmem:s15+$0x14970];
	_ =	sdelay $0x7  }
0x83: {  	[tilespmem:v1+s19+$0x0] =	vst.idx.add.f32.msk $0xffff, v0  }
0x84: {  	_ =	swait.ge [sflag:s30], $0x4000  }
0x85: {  	[sflag:s30] =	ssyncset.done $0x0  }
0x86: {  	[sflag:s30] =	ssyncadd.s32 $0xFFFFC000  }
0x87: {  	_ =	swait.ge [sflag:s31], $0x4000  }
0x88: {  	[sflag:s31] =	ssyncset.done $0x0  }
0x89: {  	s16 =	sadd.s32 $0x14200, s15;
	[sflag:s31] =	ssyncadd.s32 $0xFFFFC000  }
0x8a: {  	[tilespmem:s25], [sflag:$0x1] =	stream.indirect.gather [hbm4b:s2+s23], $0x80, s16, s23, $0xb8;
	[tilespmem:$0x1F800] =	vst v63  }
0x8b: {  	s16 =	sadd.s32 $0x14980, s15  }
0x8c: {  	[spmem:s5] =	stream.indirect.scatter.add.f32 [tilespmem:s28], [sflag:$0x4], $0x80, s16, s23, $0xb8;
	[tilespmem:$0x1F800] =	vst v63  }
0x8d: {  	v1 =	vld [tilespmem:s15+$0x14980];
	_ =	sdelay $0x7  }
0x8e: {  	[tilespmem:v1+s19+$0x0] =	vst.idx.add.f32.msk $0xffff, v0  }
0x8f: {  	v1 =	vld [tilespmem:s15+$0x14990];
	_ =	sdelay $0x7  }
0x90: {  	[tilespmem:v1+s19+$0x0] =	vst.idx.add.f32.msk $0xffff, v0  }
0x91: {  	v1 =	vld [tilespmem:s15+$0x149A0];
	_ =	sdelay $0x7  }
0x92: {  	[tilespmem:v1+s19+$0x0] =	vst.idx.add.f32.msk $0xffff, v0  }
0x93: {  	v1 =	vld [tilespmem:s15+$0x149B0];
	_ =	sdelay $0x7  }
0x94: {  	[tilespmem:v1+s19+$0x0] =	vst.idx.add.f32.msk $0xffff, v0  }
0x95: {  	v1 =	vld [tilespmem:s15+$0x149C0];
	_ =	sdelay $0x7  }
0x96: {  	[tilespmem:v1+s19+$0x0] =	vst.idx.add.f32.msk $0xffff, v0  }
0x97: {  	v1 =	vld [tilespmem:s15+$0x149D0];
	_ =	sdelay $0x7  }
0x98: {  	[tilespmem:v1+s19+$0x0] =	vst.idx.add.f32.msk $0xffff, v0  }
0x99: {  	v1 =	vld [tilespmem:s15+$0x149E0];
	_ =	sdelay $0x7  }
0x9a: {  	[tilespmem:v1+s19+$0x0] =	vst.idx.add.f32.msk $0xffff, v0  }
0x9b: {  	v1 =	vld [tilespmem:s15+$0x149F0];
	_ =	sdelay $0x2  }
0x9c: {  	p1 =	sne.s32 s10, $0x1400  }
.Ltmp3:
0x9d: {  	_ = 	snop;
	(pc) =	sbr.rel @p1 .LBB2_7-.Ltmp3, $2  }
0x9e: {  	_ =	sdelay $0x2  }
0x9f: {  	s10 =	sadd.s32 $0x400, s10;
	[tilespmem:v1+s19+$0x0] =	vst.idx.add.f32.msk $0xffff, v0  }
0xa0: {  	_ =	swait.ge [sflag:s7], $0x4000  }
0xa1: {  	[sflag:s7] =	ssyncset.done $0x0  }
0xa2: {  	[sflag:s7] =	ssyncadd.s32 $0xFFFFC000  }
0xa3: {  	[tilespmem:s28], [sflag:$0x2] =	stream.indirect.gather [hbm4b:s2+s23], $0x80, s13, s23, $0xb8;
	[tilespmem:$0x1F800] =	vst v63  }
0xa4: {  	_ =	swait.ge [sflag:s29], $0x4000  }
0xa5: {  	[sflag:s29] =	ssyncset.done $0x0  }
0xa6: {  	[sflag:s29] =	ssyncadd.s32 $0xFFFFC000  }
0xa7: {  	[spmem:s5] =	stream.indirect.scatter.add.f32 [tilespmem:s25], [sflag:$0x3], $0x80, s14, s23, $0xb8;
	[tilespmem:$0x1F800] =	vst v63  }
0xa8: {  	v1 =	vld [tilespmem:$0x14F00];
	_ =	sdelay $0x7  }
0xa9: {  	[tilespmem:v1+s19+$0x0] =	vst.idx.add.f32.msk $0xffff, v0  }
0xaa: {  	v1 =	vld [tilespmem:$0x14F10];
	_ =	sdelay $0x7  }
0xab: {  	[tilespmem:v1+s19+$0x0] =	vst.idx.add.f32.msk $0xffff, v0  }
0xac: {  	v1 =	vld [tilespmem:$0x14F20];
	_ =	sdelay $0x7  }
0xad: {  	[tilespmem:v1+s19+$0x0] =	vst.idx.add.f32.msk $0xffff, v0  }
0xae: {  	v1 =	vld [tilespmem:$0x14F30];
	_ =	sdelay $0x7  }
0xaf: {  	[tilespmem:v1+s19+$0x0] =	vst.idx.add.f32.msk $0xffff, v0  }
0xb0: {  	v1 =	vld [tilespmem:$0x14F40];
	_ =	sdelay $0x7  }
0xb1: {  	[tilespmem:v1+s19+$0x0] =	vst.idx.add.f32.msk $0xffff, v0  }
0xb2: {  	v1 =	vld [tilespmem:$0x14F50];
	_ =	sdelay $0x7  }
0xb3: {  	[tilespmem:v1+s19+$0x0] =	vst.idx.add.f32.msk $0xffff, v0  }
0xb4: {  	v1 =	vld [tilespmem:$0x14F60];
	_ =	sdelay $0x7  }
0xb5: {  	[tilespmem:v1+s19+$0x0] =	vst.idx.add.f32.msk $0xffff, v0  }
0xb6: {  	v1 =	vld [tilespmem:$0x14F70];
	_ =	sdelay $0x7  }
0xb7: {  	[tilespmem:v1+s19+$0x0] =	vst.idx.add.f32.msk $0xffff, v0  }
0xb8: {  	_ =	swait.ge [sflag:s30], $0x4000  }
0xb9: {  	[sflag:s30] =	ssyncset.done $0x0  }
0xba: {  	[sflag:s30] =	ssyncadd.s32 $0xFFFFC000  }
0xbb: {  	_ =	swait.ge [sflag:s31], $0x4000  }
0xbc: {  	[sflag:s31] =	ssyncset.done $0x0  }
0xbd: {  	[sflag:s31] =	ssyncadd.s32 $0xFFFFC000  }
0xbe: {  	[spmem:s5] =	stream.indirect.scatter.add.f32 [tilespmem:s28], [sflag:$0x4], $0x80, s22, s23, $0xb8;
	[tilespmem:$0x1F800] =	vst v63  }
0xbf: {  	v1 =	vld [tilespmem:$0x14F80];
	_ =	sdelay $0x7  }
0xc0: {  	[tilespmem:v1+s19+$0x0] =	vst.idx.add.f32.msk $0xffff, v0  }
0xc1: {  	v1 =	vld [tilespmem:$0x14F90];
	_ =	sdelay $0x7  }
0xc2: {  	[tilespmem:v1+s19+$0x0] =	vst.idx.add.f32.msk $0xffff, v0  }
0xc3: {  	v1 =	vld [tilespmem:$0x14FA0];
	_ =	sdelay $0x7  }
0xc4: {  	[tilespmem:v1+s19+$0x0] =	vst.idx.add.f32.msk $0xffff, v0  }
0xc5: {  	v1 =	vld [tilespmem:$0x14FB0];
	_ =	sdelay $0x7  }
0xc6: {  	[tilespmem:v1+s19+$0x0] =	vst.idx.add.f32.msk $0xffff, v0  }
0xc7: {  	v1 =	vld [tilespmem:$0x14FC0];
	_ =	sdelay $0x7  }
0xc8: {  	[tilespmem:v1+s19+$0x0] =	vst.idx.add.f32.msk $0xffff, v0  }
0xc9: {  	v1 =	vld [tilespmem:$0x14FD0];
	_ =	sdelay $0x7  }
0xca: {  	[tilespmem:v1+s19+$0x0] =	vst.idx.add.f32.msk $0xffff, v0  }
0xcb: {  	v1 =	vld [tilespmem:$0x14FE0];
	_ =	sdelay $0x7  }
0xcc: {  	[tilespmem:v1+s19+$0x0] =	vst.idx.add.f32.msk $0xffff, v0  }
0xcd: {  	v1 =	vld [tilespmem:$0x14FF0];
	_ =	sdelay $0x4  }
0xce: {  	s11 =	sadd.s32 $0x1, s11  }
0xcf: {  	p1 =	sne.s32 s11, $0xA  }
.Ltmp4:
0xd0: {  	_ = 	snop;
	(pc) =	sbr.rel @p1 .LBB2_6-.Ltmp4, $4  }
0xd1: {  	[tilespmem:v1+s19+$0x0] =	vst.idx.add.f32.msk $0xffff, v0  }
0xd2: {  	_ =	swait.ge [sflag:s7], $0x4000  }
0xd3: {  	[sflag:s7] =	ssyncset.done $0x0  }
0xd4: {  	[sflag:s7] =	ssyncadd.s32 $0xFFFFC000  }
0xd5: {  	[bflag:$0x0] =	sbarrier.arrive $0xFFFF  }
0xd6: {  	s16 =	rddreg [dreg:$0xc]  }
.Ltmp5:
0xd7: {  	s10 =	rddreg [dreg:$0xd];
	(pc) =	sbr.rel .LBB2_10-.Ltmp5, $4  }
0xd8: {  	[hbm:s10], [sflag:s17] =	dma.local [spmem:s16], $0x2800  }
0xd9: {  	_ =	swait.ge [sflag:s18], $0x2800  }
0xda: {  	[sflag:s18] =	ssyncset.done $0x0  }
0xdb: {  	s15 =	smov.u32 s17;
	s10 =	rddreg [dreg:$0xe];
	[sflag:s18] =	ssyncadd.s32 $0xFFFFD800  }
.LBB2_2:
0xdc: {  	s11 =	sshll.u32 s10, $0xB  }
0xdd: {  	s11 =	sadd.s32 s12, s11  }
0xde: {  	s15 =	sshrl.u32 s11, $0x3  }
0xdf: {  	s11 =	simm.s32 $0x0;
	s16 =	sadd.s32 s3, s15  }
0xe0: {  	[tilespmem:s20], [sflag:$0x5] =	stream.linear.gather [hbm4b:s16+s11], $0x800, $0x38;
	[tilespmem:$0x1F800] =	vst v63  }
0xe1: {  	_ =	swait.ge [sflag:s18], $0x800  }
0xe2: {  	[sflag:s18] =	ssyncset.done $0x0  }
0xe3: {  	s15 =	sadd.s32 s4, s15;
	[sflag:s18] =	ssyncadd.s32 $0xFFFFF800  }
0xe4: {  	[tilespmem:s21], [sflag:$0x5] =	stream.linear.gather [hbm4b:s15+s11], $0x800, $0x38;
	[tilespmem:$0x1F800] =	vst v63  }
0xe5: {  	_ =	swait.ge [sflag:s18], $0x800  }
0xe6: {  	[sflag:s18] =	ssyncset.done $0x0  }
0xe7: {  	[sflag:s18] =	ssyncadd.s32 $0xFFFFF800  }
0xe8: {  	[tilespmem:s25], [sflag:$0x1] =	stream.indirect.gather [hbm4b:s1+s23], $0x80, s20, s23, $0xb8;
	[tilespmem:$0x1F800] =	vst v63  }
0xe9: {  	_ = 	snop  }
0xea: {  	[tilespmem:s28], [sflag:$0x2] =	stream.indirect.gather [hbm4b:s1+s23], $0x80, s26, s23, $0xb8;
	[tilespmem:$0x1F800] =	vst v63  }
0xeb: {  	_ =	swait.ge [sflag:s29], $0x4000  }
0xec: {  	[sflag:s29] =	ssyncset.done $0x0  }
0xed: {  	[sflag:s29] =	ssyncadd.s32 $0xFFFFC000  }
0xee: {  	[spmem:s5] =	stream.indirect.scatter.add.f32 [tilespmem:s25], [sflag:$0x3], $0x80, s21, s23, $0xb8;
	[tilespmem:$0x1F800] =	vst v63  }
0xef: {  	v1 =	vld [tilespmem:$0x14800];
	_ =	sdelay $0x7  }
0xf0: {  	[tilespmem:v1+s19+$0x0] =	vst.idx.add.f32.msk $0xffff, v0  }
0xf1: {  	v1 =	vld [tilespmem:$0x14810];
	_ =	sdelay $0x7  }
0xf2: {  	[tilespmem:v1+s19+$0x0] =	vst.idx.add.f32.msk $0xffff, v0  }
0xf3: {  	v1 =	vld [tilespmem:$0x14820];
	_ =	sdelay $0x7  }
0xf4: {  	[tilespmem:v1+s19+$0x0] =	vst.idx.add.f32.msk $0xffff, v0  }
0xf5: {  	v1 =	vld [tilespmem:$0x14830];
	_ =	sdelay $0x7  }
0xf6: {  	[tilespmem:v1+s19+$0x0] =	vst.idx.add.f32.msk $0xffff, v0  }
0xf7: {  	v1 =	vld [tilespmem:$0x14840];
	_ =	sdelay $0x7  }
0xf8: {  	[tilespmem:v1+s19+$0x0] =	vst.idx.add.f32.msk $0xffff, v0  }
0xf9: {  	v1 =	vld [tilespmem:$0x14850];
	_ =	sdelay $0x7  }
0xfa: {  	[tilespmem:v1+s19+$0x0] =	vst.idx.add.f32.msk $0xffff, v0  }
0xfb: {  	v1 =	vld [tilespmem:$0x14860];
	_ =	sdelay $0x7  }
0xfc: {  	[tilespmem:v1+s19+$0x0] =	vst.idx.add.f32.msk $0xffff, v0  }
0xfd: {  	v1 =	vld [tilespmem:$0x14870];
	_ =	sdelay $0x7  }
0xfe: {  	[tilespmem:v1+s19+$0x0] =	vst.idx.add.f32.msk $0xffff, v0  }
0xff: {  	_ =	swait.ge [sflag:s30], $0x4000  }
0x100: {  	[sflag:s30] =	ssyncset.done $0x0  }
0x101: {  	[sflag:s30] =	ssyncadd.s32 $0xFFFFC000  }
0x102: {  	_ =	swait.ge [sflag:s31], $0x4000  }
0x103: {  	[sflag:s31] =	ssyncset.done $0x0  }
0x104: {  	[sflag:s31] =	ssyncadd.s32 $0xFFFFC000  }
0x105: {  	[tilespmem:s25], [sflag:$0x1] =	stream.indirect.gather [hbm4b:s1+s23], $0x80, s0, s23, $0xb8;
	[tilespmem:$0x1F800] =	vst v63  }
0x106: {  	_ = 	snop  }
0x107: {  	[spmem:s5] =	stream.indirect.scatter.add.f32 [tilespmem:s28], [sflag:$0x4], $0x80, s6, s23, $0xb8;
	[tilespmem:$0x1F800] =	vst v63  }
0x108: {  	v1 =	vld [tilespmem:$0x14880];
	_ =	sdelay $0x7  }
0x109: {  	[tilespmem:v1+s19+$0x0] =	vst.idx.add.f32.msk $0xffff, v0  }
0x10a: {  	v1 =	vld [tilespmem:$0x14890];
	_ =	sdelay $0x7  }
0x10b: {  	[tilespmem:v1+s19+$0x0] =	vst.idx.add.f32.msk $0xffff, v0  }
0x10c: {  	v1 =	vld [tilespmem:$0x148A0];
	_ =	sdelay $0x7  }
0x10d: {  	[tilespmem:v1+s19+$0x0] =	vst.idx.add.f32.msk $0xffff, v0  }
0x10e: {  	v1 =	vld [tilespmem:$0x148B0];
	_ =	sdelay $0x7  }
0x10f: {  	[tilespmem:v1+s19+$0x0] =	vst.idx.add.f32.msk $0xffff, v0  }
0x110: {  	v1 =	vld [tilespmem:$0x148C0];
	_ =	sdelay $0x7  }
0x111: {  	[tilespmem:v1+s19+$0x0] =	vst.idx.add.f32.msk $0xffff, v0  }
0x112: {  	v1 =	vld [tilespmem:$0x148D0];
	_ =	sdelay $0x7  }
0x113: {  	[tilespmem:v1+s19+$0x0] =	vst.idx.add.f32.msk $0xffff, v0  }
0x114: {  	v1 =	vld [tilespmem:$0x148E0];
	_ =	sdelay $0x7  }
0x115: {  	[tilespmem:v1+s19+$0x0] =	vst.idx.add.f32.msk $0xffff, v0  }
0x116: {  	v1 =	vld [tilespmem:$0x148F0];
	_ =	sdelay $0x7  }
0x117: {  	[tilespmem:v1+s19+$0x0] =	vst.idx.add.f32.msk $0xffff, v0  }
.LBB2_3:
0x118: {  	_ =	swait.ge [sflag:s7], $0x4000  }
0x119: {  	s15 =	sshra.s32 s11, $0x2;
	[sflag:s7] =	ssyncset.done $0x0  }
0x11a: {  	s16 =	sadd.s32 $0x14180, s15;
	[sflag:s7] =	ssyncadd.s32 $0xFFFFC000  }
0x11b: {  	[tilespmem:s28], [sflag:$0x2] =	stream.indirect.gather [hbm4b:s1+s23], $0x80, s16, s23, $0xb8;
	[tilespmem:$0x1F800] =	vst v63  }
0x11c: {  	_ =	swait.ge [sflag:s29], $0x4000  }
0x11d: {  	[sflag:s29] =	ssyncset.done $0x0  }
0x11e: {  	s16 =	sadd.s32 $0x14900, s15;
	[sflag:s29] =	ssyncadd.s32 $0xFFFFC000  }
0x11f: {  	[spmem:s5] =	stream.indirect.scatter.add.f32 [tilespmem:s25], [sflag:$0x3], $0x80, s16, s23, $0xb8;
	[tilespmem:$0x1F800] =	vst v63  }
0x120: {  	v1 =	vld [tilespmem:s15+$0x14900];
	_ =	sdelay $0x7  }
0x121: {  	[tilespmem:v1+s19+$0x0] =	vst.idx.add.f32.msk $0xffff, v0  }
0x122: {  	v1 =	vld [tilespmem:s15+$0x14910];
	_ =	sdelay $0x7  }
0x123: {  	[tilespmem:v1+s19+$0x0] =	vst.idx.add.f32.msk $0xffff, v0  }
0x124: {  	v1 =	vld [tilespmem:s15+$0x14920];
	_ =	sdelay $0x7  }
0x125: {  	[tilespmem:v1+s19+$0x0] =	vst.idx.add.f32.msk $0xffff, v0  }
0x126: {  	v1 =	vld [tilespmem:s15+$0x14930];
	_ =	sdelay $0x7  }
0x127: {  	[tilespmem:v1+s19+$0x0] =	vst.idx.add.f32.msk $0xffff, v0  }
0x128: {  	v1 =	vld [tilespmem:s15+$0x14940];
	_ =	sdelay $0x7  }
0x129: {  	[tilespmem:v1+s19+$0x0] =	vst.idx.add.f32.msk $0xffff, v0  }
0x12a: {  	v1 =	vld [tilespmem:s15+$0x14950];
	_ =	sdelay $0x7  }
0x12b: {  	[tilespmem:v1+s19+$0x0] =	vst.idx.add.f32.msk $0xffff, v0  }
0x12c: {  	v1 =	vld [tilespmem:s15+$0x14960];
	_ =	sdelay $0x7  }
0x12d: {  	[tilespmem:v1+s19+$0x0] =	vst.idx.add.f32.msk $0xffff, v0  }
0x12e: {  	v1 =	vld [tilespmem:s15+$0x14970];
	_ =	sdelay $0x7  }
0x12f: {  	[tilespmem:v1+s19+$0x0] =	vst.idx.add.f32.msk $0xffff, v0  }
0x130: {  	_ =	swait.ge [sflag:s30], $0x4000  }
0x131: {  	[sflag:s30] =	ssyncset.done $0x0  }
0x132: {  	[sflag:s30] =	ssyncadd.s32 $0xFFFFC000  }
0x133: {  	_ =	swait.ge [sflag:s31], $0x4000  }
0x134: {  	[sflag:s31] =	ssyncset.done $0x0  }
0x135: {  	s16 =	sadd.s32 $0x14200, s15;
	[sflag:s31] =	ssyncadd.s32 $0xFFFFC000  }
0x136: {  	[tilespmem:s25], [sflag:$0x1] =	stream.indirect.gather [hbm4b:s1+s23], $0x80, s16, s23, $0xb8;
	[tilespmem:$0x1F800] =	vst v63  }
0x137: {  	s16 =	sadd.s32 $0x14980, s15  }
0x138: {  	[spmem:s5] =	stream.indirect.scatter.add.f32 [tilespmem:s28], [sflag:$0x4], $0x80, s16, s23, $0xb8;
	[tilespmem:$0x1F800] =	vst v63  }
0x139: {  	v1 =	vld [tilespmem:s15+$0x14980];
	_ =	sdelay $0x7  }
0x13a: {  	[tilespmem:v1+s19+$0x0] =	vst.idx.add.f32.msk $0xffff, v0  }
0x13b: {  	v1 =	vld [tilespmem:s15+$0x14990];
	_ =	sdelay $0x7  }
0x13c: {  	[tilespmem:v1+s19+$0x0] =	vst.idx.add.f32.msk $0xffff, v0  }
0x13d: {  	v1 =	vld [tilespmem:s15+$0x149A0];
	_ =	sdelay $0x7  }
0x13e: {  	[tilespmem:v1+s19+$0x0] =	vst.idx.add.f32.msk $0xffff, v0  }
0x13f: {  	v1 =	vld [tilespmem:s15+$0x149B0];
	_ =	sdelay $0x7  }
0x140: {  	[tilespmem:v1+s19+$0x0] =	vst.idx.add.f32.msk $0xffff, v0  }
0x141: {  	v1 =	vld [tilespmem:s15+$0x149C0];
	_ =	sdelay $0x7  }
0x142: {  	[tilespmem:v1+s19+$0x0] =	vst.idx.add.f32.msk $0xffff, v0  }
0x143: {  	v1 =	vld [tilespmem:s15+$0x149D0];
	_ =	sdelay $0x7  }
0x144: {  	[tilespmem:v1+s19+$0x0] =	vst.idx.add.f32.msk $0xffff, v0  }
0x145: {  	v1 =	vld [tilespmem:s15+$0x149E0];
	_ =	sdelay $0x7  }
0x146: {  	[tilespmem:v1+s19+$0x0] =	vst.idx.add.f32.msk $0xffff, v0  }
0x147: {  	v1 =	vld [tilespmem:s15+$0x149F0];
	_ =	sdelay $0x2  }
0x148: {  	p1 =	sne.s32 s11, $0x1400  }
.Ltmp6:
0x149: {  	_ = 	snop;
	(pc) =	sbr.rel @p1 .LBB2_3-.Ltmp6, $2  }
0x14a: {  	_ =	sdelay $0x2  }
0x14b: {  	s11 =	sadd.s32 $0x400, s11;
	[tilespmem:v1+s19+$0x0] =	vst.idx.add.f32.msk $0xffff, v0  }
0x14c: {  	_ =	swait.ge [sflag:s7], $0x4000  }
0x14d: {  	[sflag:s7] =	ssyncset.done $0x0  }
0x14e: {  	[sflag:s7] =	ssyncadd.s32 $0xFFFFC000  }
0x14f: {  	[tilespmem:s28], [sflag:$0x2] =	stream.indirect.gather [hbm4b:s1+s23], $0x80, s13, s23, $0xb8;
	[tilespmem:$0x1F800] =	vst v63  }
0x150: {  	_ =	swait.ge [sflag:s29], $0x4000  }
0x151: {  	[sflag:s29] =	ssyncset.done $0x0  }
0x152: {  	[sflag:s29] =	ssyncadd.s32 $0xFFFFC000  }
0x153: {  	[spmem:s5] =	stream.indirect.scatter.add.f32 [tilespmem:s25], [sflag:$0x3], $0x80, s14, s23, $0xb8;
	[tilespmem:$0x1F800] =	vst v63  }
0x154: {  	v1 =	vld [tilespmem:$0x14F00];
	_ =	sdelay $0x7  }
0x155: {  	[tilespmem:v1+s19+$0x0] =	vst.idx.add.f32.msk $0xffff, v0  }
0x156: {  	v1 =	vld [tilespmem:$0x14F10];
	_ =	sdelay $0x7  }
0x157: {  	[tilespmem:v1+s19+$0x0] =	vst.idx.add.f32.msk $0xffff, v0  }
0x158: {  	v1 =	vld [tilespmem:$0x14F20];
	_ =	sdelay $0x7  }
0x159: {  	[tilespmem:v1+s19+$0x0] =	vst.idx.add.f32.msk $0xffff, v0  }
0x15a: {  	v1 =	vld [tilespmem:$0x14F30];
	_ =	sdelay $0x7  }
0x15b: {  	[tilespmem:v1+s19+$0x0] =	vst.idx.add.f32.msk $0xffff, v0  }
0x15c: {  	v1 =	vld [tilespmem:$0x14F40];
	_ =	sdelay $0x7  }
0x15d: {  	[tilespmem:v1+s19+$0x0] =	vst.idx.add.f32.msk $0xffff, v0  }
0x15e: {  	v1 =	vld [tilespmem:$0x14F50];
	_ =	sdelay $0x7  }
0x15f: {  	[tilespmem:v1+s19+$0x0] =	vst.idx.add.f32.msk $0xffff, v0  }
0x160: {  	v1 =	vld [tilespmem:$0x14F60];
	_ =	sdelay $0x7  }
0x161: {  	[tilespmem:v1+s19+$0x0] =	vst.idx.add.f32.msk $0xffff, v0  }
0x162: {  	v1 =	vld [tilespmem:$0x14F70];
	_ =	sdelay $0x7  }
0x163: {  	[tilespmem:v1+s19+$0x0] =	vst.idx.add.f32.msk $0xffff, v0  }
0x164: {  	_ =	swait.ge [sflag:s30], $0x4000  }
0x165: {  	[sflag:s30] =	ssyncset.done $0x0  }
0x166: {  	[sflag:s30] =	ssyncadd.s32 $0xFFFFC000  }
0x167: {  	_ =	swait.ge [sflag:s31], $0x4000  }
0x168: {  	[sflag:s31] =	ssyncset.done $0x0  }
0x169: {  	[sflag:s31] =	ssyncadd.s32 $0xFFFFC000  }
0x16a: {  	[spmem:s5] =	stream.indirect.scatter.add.f32 [tilespmem:s28], [sflag:$0x4], $0x80, s22, s23, $0xb8;
	[tilespmem:$0x1F800] =	vst v63  }
0x16b: {  	v1 =	vld [tilespmem:$0x14F80];
	_ =	sdelay $0x7  }
0x16c: {  	[tilespmem:v1+s19+$0x0] =	vst.idx.add.f32.msk $0xffff, v0  }
0x16d: {  	v1 =	vld [tilespmem:$0x14F90];
	_ =	sdelay $0x7  }
0x16e: {  	[tilespmem:v1+s19+$0x0] =	vst.idx.add.f32.msk $0xffff, v0  }
0x16f: {  	v1 =	vld [tilespmem:$0x14FA0];
	_ =	sdelay $0x7  }
0x170: {  	[tilespmem:v1+s19+$0x0] =	vst.idx.add.f32.msk $0xffff, v0  }
0x171: {  	v1 =	vld [tilespmem:$0x14FB0];
	_ =	sdelay $0x7  }
0x172: {  	[tilespmem:v1+s19+$0x0] =	vst.idx.add.f32.msk $0xffff, v0  }
0x173: {  	v1 =	vld [tilespmem:$0x14FC0];
	_ =	sdelay $0x7  }
0x174: {  	[tilespmem:v1+s19+$0x0] =	vst.idx.add.f32.msk $0xffff, v0  }
0x175: {  	v1 =	vld [tilespmem:$0x14FD0];
	_ =	sdelay $0x7  }
0x176: {  	[tilespmem:v1+s19+$0x0] =	vst.idx.add.f32.msk $0xffff, v0  }
0x177: {  	v1 =	vld [tilespmem:$0x14FE0];
	_ =	sdelay $0x7  }
0x178: {  	[tilespmem:v1+s19+$0x0] =	vst.idx.add.f32.msk $0xffff, v0  }
0x179: {  	v1 =	vld [tilespmem:$0x14FF0];
	_ =	sdelay $0x4  }
0x17a: {  	s10 =	sadd.s32 $0x1, s10  }
0x17b: {  	p1 =	sne.s32 s10, $0xA  }
.Ltmp7:
0x17c: {  	_ = 	snop;
	(pc) =	sbr.rel @p1 .LBB2_2-.Ltmp7, $4  }
0x17d: {  	[tilespmem:v1+s19+$0x0] =	vst.idx.add.f32.msk $0xffff, v0  }
0x17e: {  	_ =	swait.ge [sflag:s7], $0x4000  }
0x17f: {  	[sflag:s7] =	ssyncset.done $0x0  }
0x180: {  	[sflag:s7] =	ssyncadd.s32 $0xFFFFC000  }
0x181: {  	[bflag:$0x0] =	sbarrier.arrive $0xFFFF  }
0x182: {  	s10 =	rddreg [dreg:$0x9]  }
.Ltmp8:
0x183: {  	s16 =	rddreg [dreg:$0xc];
	(pc) =	sbr.rel .LBB2_10-.Ltmp8, $4  }
0x184: {  	[hbm:s10], [sflag:s17] =	dma.local [spmem:s16], $0x2800  }
0x185: {  	_ =	swait.ge [sflag:s18], $0x2800  }
0x186: {  	[sflag:s18] =	ssyncset.done $0x0  }
0x187: {  	s15 =	smov.u32 s17;
	s10 =	rddreg [dreg:$0xa];
	[sflag:s18] =	ssyncadd.s32 $0xFFFFD800  }
.LBB2_11:
0x188: {  	_ =	sfence.sel $0x180000  }
0x189: {  	[bflag:$0x0] =	sbarrier.arrive $0xFFFF  }
0x18a: {  	_ =	strace $0x90000047  }
0x18b: {  	s0 =	stileid.u32;
	[bflag:$0x2] =	sbarrier.arrive $0xFFFF  }
0x18c: {  	p0 =	sne.s32 s0, $0x0;
	s0 =	rddreg [dreg:$0x6]  }
0x18d: {  	s0 =	sadd.s32 @!p0 $0x100000, s0  }
0x18e: {  	[sflag:s0] =	ssyncadd.tile.s32 @!p0 $0x1;
	_ =	shalt  }
.Lfunc_end2:
_tile_overlayer_lowered:
.L_overlay_start_2:
0x18f: {  	(tag) =	ssettag $0x2  }
0x190: {  	s0 =	rddreg [dreg:$0x0];
	s2 =	stileid.u32  }
0x191: {  	s1 =	rddreg [dreg:$0x1];
	p0 =	sne.s32 s2, $0x0  }
0x192: {  	s3 =	rddreg [dreg:$0x2];
	[bflag:$0x3] =	sbarrier.arrive $0xFFFF;
	s2 =	simm.s32 @!p0 $0x1C05  }
0x193: {  	[timem:s3], [sflag:s2] =	dma.local @!p0 [hbm:s0], s1  }
0x194: {  	s0 =	simm.s32 @!p0 $0x5  }
0x195: {  	_ =	swait.ge @!p0 [sflag:s0], s1  }
0x196: {  	s1 =	ssub.s32 @!p0 $0x0, s1;
	[sflag:s0] =	ssyncset.done @!p0 $0x0  }
0x197: {  	[sflag:s0] =	ssyncadd.s32 @!p0 s1  }
0x198: {  	[bflag:$0x3] =	sbarrier.arrive $0xFFFF  }
0x199: {  	_ =	shalt  }

</sc_bundles>
